<compile_context>
chip_gen: v7x
topology: tpu7x:2x2x1
jax: 0.10.2.dev20260603
libtpu: 0.0.44.dev20260713+nightly
codegen_flags: <defaults>
</compile_context>

<pallas_src>
import functools

import jax
import jax.numpy as jnp
from jax import lax
from jax.experimental import pallas as pl
from jax.experimental.pallas import tpu as pltpu
from jax.experimental.pallas import tpu_sc as plsc

LABS = 30
SUBJ = 100
D = 128
D2 = 2 * D
B = 16384
NC = 2
NS = 16
NW = NC * NS
RPW = B // NW
CH = 64
NCH = RPW // CH
NBUF = 6
L = 16

_mesh = plsc.VectorSubcoreMesh(core_axis_name="c", subcore_axis_name="s")


@functools.partial(
    pl.kernel,
    mesh=_mesh,
    out_type=jax.ShapeDtypeStruct((B, D2), jnp.float32),
    scratch_types=[
        pltpu.VMEM((RPW,), jnp.int32),
        pltpu.VMEM((RPW,), jnp.int32),
        pltpu.VMEM((RPW,), jnp.int32),
        pltpu.VMEM((NBUF, CH, D2), jnp.float32),
    ] + [pltpu.SemaphoreType.DMA] * 16,
)
def _adapter(lab_ids, sub_ids, table, out, lidv, sidv, idxv, rows, *sems):
    gsem = sems[:NBUF]
    wsem = sems[NBUF:]
    wid = lax.axis_index("s") * NC + lax.axis_index("c")
    base = wid * RPW
    pltpu.sync_copy(lab_ids.at[pl.ds(base, RPW)], lidv)
    pltpu.sync_copy(sub_ids.at[pl.ds(base, RPW)], sidv)
    for g in range(RPW // L):
        sl = pl.ds(g * L, L)
        idxv[sl] = lidv[sl] * SUBJ + sidv[sl]
    gets = {}
    puts = {}
    for j in range(NBUF):
        gets[j] = pltpu.async_copy(
            table.at[idxv.at[pl.ds(j * CH, CH)]], rows.at[j], gsem[j])
    for j in range(NCH):
        b = j % NBUF
        if j >= NBUF:
            puts[j - NBUF].wait()
            gets[j] = pltpu.async_copy(
                table.at[idxv.at[pl.ds(j * CH, CH)]], rows.at[b], gsem[b])
        gets[j].wait()
        puts[j] = pltpu.async_copy(
            rows.at[b], out.at[pl.ds(base + j * CH, CH)], wsem[b])
    for j in range(NCH - NBUF, NCH):
        puts[j].wait()


def kernel(lab_ids, subject_ids, lab_table, subject_table):
    paired = jnp.concatenate([
        jnp.broadcast_to(lab_table[:, None, :], (LABS, SUBJ, D)),
        jnp.broadcast_to(subject_table[None, :, :], (LABS, SUBJ, D)),
    ], axis=-1).reshape(LABS * SUBJ, D2)
    return _adapter(lab_ids, subject_ids, paired)

# --- scband reference (transcript-rebuilt; emitter-appended) ---
"""Pipeline reference for scband-lab-context-adapter-231928234656 (READ-ONLY COPY).

The authoritative reference and input builder live on the scoring server;
editing this copy changes nothing except your own understanding.
"""

import jax, jax.numpy as jnp
import numpy as np

NUM_LABS = 30
NUM_SUBJECTS = 100
EMBED_DIM = 128
BATCH = 16384

def setup_inputs(seed: int = 0) -> dict:
    key = jax.random.key(seed)
    k1, k2, k3, k4 = jax.random.split(key, 4)
    lab_ids = jax.random.randint(k1, (BATCH,), 0, NUM_LABS, dtype=jnp.int64 if jax.config.jax_enable_x64 else jnp.int32).astype(jnp.int32)
    subject_ids = jax.random.randint(k2, (BATCH,), 0, NUM_SUBJECTS, dtype=jnp.int32)
    lab_table = jax.random.normal(k3, (NUM_LABS, EMBED_DIM), dtype=jnp.float32)
    subject_table = jax.random.normal(k4, (NUM_SUBJECTS, EMBED_DIM), dtype=jnp.float32)
    return {"lab_ids": lab_ids, "subject_ids": subject_ids, "lab_table": lab_table, "subject_table": subject_table}

def reference(lab_ids, subject_ids, lab_table, subject_table):
    # lab_emb = self.lab_embedding(lab_ids)
    lab_emb = jnp.take(lab_table, lab_ids, axis=0)
    # sub_emb = self.subject_embedding(subject_ids)
    sub_emb = jnp.take(subject_table, subject_ids, axis=0)
    # torch.cat([lab_emb, sub_emb], dim=-1)
    return jnp.concatenate([lab_emb, sub_emb], axis=-1)

if __name__ == "__main__":
    import jax
    _d = setup_inputs()
    print(jax.jit(kernel)(*tuple(_d.values())))

</pallas_src>

<mosaic_0001>
#map = affine_map<(d0, d1) -> (0)>
#map1 = affine_map<(d0, d1) -> (0, 0)>
module attributes {stable_mosaic.version = 14 : i64} {
  func.func @_adapter(%arg0: i32, %arg1: i32, %arg2: memref<16384xi32, #tpu.memory_space<hbm>>, %arg3: memref<16384xi32, #tpu.memory_space<hbm>>, %arg4: memref<3000x256xf32, #tpu.memory_space<hbm>>, %arg5: memref<16384x256xf32, #tpu.memory_space<hbm>>, %arg6: memref<512xi32, #tpu.memory_space<vmem>>, %arg7: memref<512xi32, #tpu.memory_space<vmem>>, %arg8: memref<512xi32, #tpu.memory_space<vmem>>, %arg9: memref<6x64x256xf32, #tpu.memory_space<vmem>>, %arg10: memref<!tpu.dma_semaphore, #tpu.memory_space<semaphore_mem>>, %arg11: memref<!tpu.dma_semaphore, #tpu.memory_space<semaphore_mem>>, %arg12: memref<!tpu.dma_semaphore, #tpu.memory_space<semaphore_mem>>, %arg13: memref<!tpu.dma_semaphore, #tpu.memory_space<semaphore_mem>>, %arg14: memref<!tpu.dma_semaphore, #tpu.memory_space<semaphore_mem>>, %arg15: memref<!tpu.dma_semaphore, #tpu.memory_space<semaphore_mem>>, %arg16: memref<!tpu.dma_semaphore, #tpu.memory_space<semaphore_mem>>, %arg17: memref<!tpu.dma_semaphore, #tpu.memory_space<semaphore_mem>>, %arg18: memref<!tpu.dma_semaphore, #tpu.memory_space<semaphore_mem>>, %arg19: memref<!tpu.dma_semaphore, #tpu.memory_space<semaphore_mem>>, %arg20: memref<!tpu.dma_semaphore, #tpu.memory_space<semaphore_mem>>, %arg21: memref<!tpu.dma_semaphore, #tpu.memory_space<semaphore_mem>>, %arg22: memref<!tpu.dma_semaphore, #tpu.memory_space<semaphore_mem>>, %arg23: memref<!tpu.dma_semaphore, #tpu.memory_space<semaphore_mem>>, %arg24: memref<!tpu.dma_semaphore, #tpu.memory_space<semaphore_mem>>, %arg25: memref<!tpu.dma_semaphore, #tpu.memory_space<semaphore_mem>>) attributes {dimension_semantics = [#tpu.dimension_semantics<core_parallel>, #tpu.dimension_semantics<subcore_parallel>], iteration_bounds = array<i64: 2, 16>, scalar_prefetch = 0 : i64, scratch_operands = 20 : i64, tpu.core_type = #tpu.core_type<sc_vector_subcore>, window_params = [{transform_indices = #map}, {transform_indices = #map}, {transform_indices = #map1}, {transform_indices = #map1}]} {
    %mul3A = arith.constant 2 : i32
    %mul3A_0 = arith.muli %arg1, %mul3A : i32
    %add3A = arith.addi %mul3A_0, %arg0 : i32
    %mul3A_1 = arith.constant 512 : i32
    %mul3A_2 = arith.muli %add3A, %mul3A_1 : i32
    "tpu.region"() ({
      %run_scoped3A = tpu.sem_alloc : memref<!tpu.dma_semaphore, #tpu.memory_space<semaphore_mem>>
      %dma_start3A_831 = tpu.memref_slice %arg2[%mul3A_2] : memref<16384xi32, #tpu.memory_space<hbm>> -> memref<512xi32, #tpu.memory_space<hbm>>
      %dma_start3A_832 = tpu.memref_slice %arg2[%mul3A_2] : memref<16384xi32, #tpu.memory_space<hbm>> -> memref<512xi32, #tpu.memory_space<hbm>>
      tpu.enqueue_dma source(%dma_start3A_832 : memref<512xi32, #tpu.memory_space<hbm>>) target(%arg6 : memref<512xi32, #tpu.memory_space<vmem>>) target_semaphore(%run_scoped3A : memref<!tpu.dma_semaphore, #tpu.memory_space<semaphore_mem>>)
      %dma_wait3A_833 = tpu.memref_slice %arg2[%mul3A_2] : memref<16384xi32, #tpu.memory_space<hbm>> -> memref<512xi32, #tpu.memory_space<hbm>>
      %dma_wait3A_834 = tpu.memref_slice %arg2[%mul3A_2] : memref<16384xi32, #tpu.memory_space<hbm>> -> memref<512xi32, #tpu.memory_space<hbm>>
      tpu.wait_dma2 semaphore(%run_scoped3A : memref<!tpu.dma_semaphore, #tpu.memory_space<semaphore_mem>>) src(%dma_wait3A_834 : memref<512xi32, #tpu.memory_space<hbm>>) dst(%arg6 : memref<512xi32, #tpu.memory_space<vmem>>)
      tpu.yield
    }) : () -> ()
    "tpu.region"() ({
      %run_scoped3A = tpu.sem_alloc : memref<!tpu.dma_semaphore, #tpu.memory_space<semaphore_mem>>
      %dma_start3A_831 = tpu.memref_slice %arg3[%mul3A_2] : memref<16384xi32, #tpu.memory_space<hbm>> -> memref<512xi32, #tpu.memory_space<hbm>>
      %dma_start3A_832 = tpu.memref_slice %arg3[%mul3A_2] : memref<16384xi32, #tpu.memory_space<hbm>> -> memref<512xi32, #tpu.memory_space<hbm>>
      tpu.enqueue_dma source(%dma_start3A_832 : memref<512xi32, #tpu.memory_space<hbm>>) target(%arg7 : memref<512xi32, #tpu.memory_space<vmem>>) target_semaphore(%run_scoped3A : memref<!tpu.dma_semaphore, #tpu.memory_space<semaphore_mem>>)
      %dma_wait3A_833 = tpu.memref_slice %arg3[%mul3A_2] : memref<16384xi32, #tpu.memory_space<hbm>> -> memref<512xi32, #tpu.memory_space<hbm>>
      %dma_wait3A_834 = tpu.memref_slice %arg3[%mul3A_2] : memref<16384xi32, #tpu.memory_space<hbm>> -> memref<512xi32, #tpu.memory_space<hbm>>
      tpu.wait_dma2 semaphore(%run_scoped3A : memref<!tpu.dma_semaphore, #tpu.memory_space<semaphore_mem>>) src(%dma_wait3A_834 : memref<512xi32, #tpu.memory_space<hbm>>) dst(%arg7 : memref<512xi32, #tpu.memory_space<vmem>>)
      tpu.yield
    }) : () -> ()
    %get3A = arith.constant 0 : index
    %get3A_3 = tpu.vector_load %arg6[%get3A] {strides = array<i32>} : memref<512xi32, #tpu.memory_space<vmem>>, vector<16xi32>,
    %get3A_4 = vector.shape_cast %get3A_3 : vector<16xi32> to vector<16xi32>
    %mul3A_5 = arith.constant 100 : i32
    %mul3A_6 = vector.broadcast %mul3A_5 : i32 to vector<16xi32>
    %mul3A_7 = arith.muli %get3A_4, %mul3A_6 : vector<16xi32>
    %get3A_8 = arith.constant 0 : index
    %get3A_9 = tpu.vector_load %arg7[%get3A_8] {strides = array<i32>} : memref<512xi32, #tpu.memory_space<vmem>>, vector<16xi32>,
    %get3A_10 = vector.shape_cast %get3A_9 : vector<16xi32> to vector<16xi32>
    %add3A_11 = arith.addi %mul3A_7, %get3A_10 : vector<16xi32>
    %swap3A = arith.constant 0 : index
    %swap3A_12 = tpu.vector_load %arg8[%swap3A] {strides = array<i32>} : memref<512xi32, #tpu.memory_space<vmem>>, vector<16xi32>,
    %swap3A_13 = vector.shape_cast %swap3A_12 : vector<16xi32> to vector<16xi32>
    %swap3A_14 = vector.shape_cast %add3A_11 : vector<16xi32> to vector<16xi32>
    tpu.vector_store %arg8[%swap3A], %swap3A_14 {strides = array<i32>} : memref<512xi32, #tpu.memory_space<vmem>>, vector<16xi32>,
    %get3A_15 = arith.constant 16 : index
    %get3A_16 = tpu.vector_load %arg6[%get3A_15] {strides = array<i32>} : memref<512xi32, #tpu.memory_space<vmem>>, vector<16xi32>,
    %get3A_17 = vector.shape_cast %get3A_16 : vector<16xi32> to vector<16xi32>
    %mul3A_18 = arith.constant 100 : i32
    %mul3A_19 = vector.broadcast %mul3A_18 : i32 to vector<16xi32>
    %mul3A_20 = arith.muli %get3A_17, %mul3A_19 : vector<16xi32>
    %get3A_21 = arith.constant 16 : index
    %get3A_22 = tpu.vector_load %arg7[%get3A_21] {strides = array<i32>} : memref<512xi32, #tpu.memory_space<vmem>>, vector<16xi32>,
    %get3A_23 = vector.shape_cast %get3A_22 : vector<16xi32> to vector<16xi32>
    %add3A_24 = arith.addi %mul3A_20, %get3A_23 : vector<16xi32>
    %swap3A_25 = arith.constant 16 : index
    %swap3A_26 = tpu.vector_load %arg8[%swap3A_25] {strides = array<i32>} : memref<512xi32, #tpu.memory_space<vmem>>, vector<16xi32>,
    %swap3A_27 = vector.shape_cast %swap3A_26 : vector<16xi32> to vector<16xi32>
    %swap3A_28 = vector.shape_cast %add3A_24 : vector<16xi32> to vector<16xi32>
    tpu.vector_store %arg8[%swap3A_25], %swap3A_28 {strides = array<i32>} : memref<512xi32, #tpu.memory_space<vmem>>, vector<16xi32>,
    %get3A_29 = arith.constant 32 : index
    %get3A_30 = tpu.vector_load %arg6[%get3A_29] {strides = array<i32>} : memref<512xi32, #tpu.memory_space<vmem>>, vector<16xi32>,
    %get3A_31 = vector.shape_cast %get3A_30 : vector<16xi32> to vector<16xi32>
    %mul3A_32 = arith.constant 100 : i32
    %mul3A_33 = vector.broadcast %mul3A_32 : i32 to vector<16xi32>
    %mul3A_34 = arith.muli %get3A_31, %mul3A_33 : vector<16xi32>
    %get3A_35 = arith.constant 32 : index
    %get3A_36 = tpu.vector_load %arg7[%get3A_35] {strides = array<i32>} : memref<512xi32, #tpu.memory_space<vmem>>, vector<16xi32>,
    %get3A_37 = vector.shape_cast %get3A_36 : vector<16xi32> to vector<16xi32>
    %add3A_38 = arith.addi %mul3A_34, %get3A_37 : vector<16xi32>
    %swap3A_39 = arith.constant 32 : index
    %swap3A_40 = tpu.vector_load %arg8[%swap3A_39] {strides = array<i32>} : memref<512xi32, #tpu.memory_space<vmem>>, vector<16xi32>,
    %swap3A_41 = vector.shape_cast %swap3A_40 : vector<16xi32> to vector<16xi32>
    %swap3A_42 = vector.shape_cast %add3A_38 : vector<16xi32> to vector<16xi32>
    tpu.vector_store %arg8[%swap3A_39], %swap3A_42 {strides = array<i32>} : memref<512xi32, #tpu.memory_space<vmem>>, vector<16xi32>,
    %get3A_43 = arith.constant 48 : index
    %get3A_44 = tpu.vector_load %arg6[%get3A_43] {strides = array<i32>} : memref<512xi32, #tpu.memory_space<vmem>>, vector<16xi32>,
    %get3A_45 = vector.shape_cast %get3A_44 : vector<16xi32> to vector<16xi32>
    %mul3A_46 = arith.constant 100 : i32
    %mul3A_47 = vector.broadcast %mul3A_46 : i32 to vector<16xi32>
    %mul3A_48 = arith.muli %get3A_45, %mul3A_47 : vector<16xi32>
    %get3A_49 = arith.constant 48 : index
    %get3A_50 = tpu.vector_load %arg7[%get3A_49] {strides = array<i32>} : memref<512xi32, #tpu.memory_space<vmem>>, vector<16xi32>,
    %get3A_51 = vector.shape_cast %get3A_50 : vector<16xi32> to vector<16xi32>
    %add3A_52 = arith.addi %mul3A_48, %get3A_51 : vector<16xi32>
    %swap3A_53 = arith.constant 48 : index
    %swap3A_54 = tpu.vector_load %arg8[%swap3A_53] {strides = array<i32>} : memref<512xi32, #tpu.memory_space<vmem>>, vector<16xi32>,
    %swap3A_55 = vector.shape_cast %swap3A_54 : vector<16xi32> to vector<16xi32>
    %swap3A_56 = vector.shape_cast %add3A_52 : vector<16xi32> to vector<16xi32>
    tpu.vector_store %arg8[%swap3A_53], %swap3A_56 {strides = array<i32>} : memref<512xi32, #tpu.memory_space<vmem>>, vector<16xi32>,
    %get3A_57 = arith.constant 64 : index
    %get3A_58 = tpu.vector_load %arg6[%get3A_57] {strides = array<i32>} : memref<512xi32, #tpu.memory_space<vmem>>, vector<16xi32>,
    %get3A_59 = vector.shape_cast %get3A_58 : vector<16xi32> to vector<16xi32>
    %mul3A_60 = arith.constant 100 : i32
    %mul3A_61 = vector.broadcast %mul3A_60 : i32 to vector<16xi32>
    %mul3A_62 = arith.muli %get3A_59, %mul3A_61 : vector<16xi32>
    %get3A_63 = arith.constant 64 : index
    %get3A_64 = tpu.vector_load %arg7[%get3A_63] {strides = array<i32>} : memref<512xi32, #tpu.memory_space<vmem>>, vector<16xi32>,
    %get3A_65 = vector.shape_cast %get3A_64 : vector<16xi32> to vector<16xi32>
    %add3A_66 = arith.addi %mul3A_62, %get3A_65 : vector<16xi32>
    %swap3A_67 = arith.constant 64 : index
    %swap3A_68 = tpu.vector_load %arg8[%swap3A_67] {strides = array<i32>} : memref<512xi32, #tpu.memory_space<vmem>>, vector<16xi32>,
    %swap3A_69 = vector.shape_cast %swap3A_68 : vector<16xi32> to vector<16xi32>
    %swap3A_70 = vector.shape_cast %add3A_66 : vector<16xi32> to vector<16xi32>
    tpu.vector_store %arg8[%swap3A_67], %swap3A_70 {strides = array<i32>} : memref<512xi32, #tpu.memory_space<vmem>>, vector<16xi32>,
    %get3A_71 = arith.constant 80 : index
    %get3A_72 = tpu.vector_load %arg6[%get3A_71] {strides = array<i32>} : memref<512xi32, #tpu.memory_space<vmem>>, vector<16xi32>,
    %get3A_73 = vector.shape_cast %get3A_72 : vector<16xi32> to vector<16xi32>
    %mul3A_74 = arith.constant 100 : i32
    %mul3A_75 = vector.broadcast %mul3A_74 : i32 to vector<16xi32>
    %mul3A_76 = arith.muli %get3A_73, %mul3A_75 : vector<16xi32>
    %get3A_77 = arith.constant 80 : index
    %get3A_78 = tpu.vector_load %arg7[%get3A_77] {strides = array<i32>} : memref<512xi32, #tpu.memory_space<vmem>>, vector<16xi32>,
    %get3A_79 = vector.shape_cast %get3A_78 : vector<16xi32> to vector<16xi32>
    %add3A_80 = arith.addi %mul3A_76, %get3A_79 : vector<16xi32>
    %swap3A_81 = arith.constant 80 : index
    %swap3A_82 = tpu.vector_load %arg8[%swap3A_81] {strides = array<i32>} : memref<512xi32, #tpu.memory_space<vmem>>, vector<16xi32>,
    %swap3A_83 = vector.shape_cast %swap3A_82 : vector<16xi32> to vector<16xi32>
    %swap3A_84 = vector.shape_cast %add3A_80 : vector<16xi32> to vector<16xi32>
    tpu.vector_store %arg8[%swap3A_81], %swap3A_84 {strides = array<i32>} : memref<512xi32, #tpu.memory_space<vmem>>, vector<16xi32>,
    %get3A_85 = arith.constant 96 : index
    %get3A_86 = tpu.vector_load %arg6[%get3A_85] {strides = array<i32>} : memref<512xi32, #tpu.memory_space<vmem>>, vector<16xi32>,
    %get3A_87 = vector.shape_cast %get3A_86 : vector<16xi32> to vector<16xi32>
    %mul3A_88 = arith.constant 100 : i32
    %mul3A_89 = vector.broadcast %mul3A_88 : i32 to vector<16xi32>
    %mul3A_90 = arith.muli %get3A_87, %mul3A_89 : vector<16xi32>
    %get3A_91 = arith.constant 96 : index
    %get3A_92 = tpu.vector_load %arg7[%get3A_91] {strides = array<i32>} : memref<512xi32, #tpu.memory_space<vmem>>, vector<16xi32>,
    %get3A_93 = vector.shape_cast %get3A_92 : vector<16xi32> to vector<16xi32>
    %add3A_94 = arith.addi %mul3A_90, %get3A_93 : vector<16xi32>
    %swap3A_95 = arith.constant 96 : index
    %swap3A_96 = tpu.vector_load %arg8[%swap3A_95] {strides = array<i32>} : memref<512xi32, #tpu.memory_space<vmem>>, vector<16xi32>,
    %swap3A_97 = vector.shape_cast %swap3A_96 : vector<16xi32> to vector<16xi32>
    %swap3A_98 = vector.shape_cast %add3A_94 : vector<16xi32> to vector<16xi32>
    tpu.vector_store %arg8[%swap3A_95], %swap3A_98 {strides = array<i32>} : memref<512xi32, #tpu.memory_space<vmem>>, vector<16xi32>,
    %get3A_99 = arith.constant 112 : index
    %get3A_100 = tpu.vector_load %arg6[%get3A_99] {strides = array<i32>} : memref<512xi32, #tpu.memory_space<vmem>>, vector<16xi32>,
    %get3A_101 = vector.shape_cast %get3A_100 : vector<16xi32> to vector<16xi32>
    %mul3A_102 = arith.constant 100 : i32
    %mul3A_103 = vector.broadcast %mul3A_102 : i32 to vector<16xi32>
    %mul3A_104 = arith.muli %get3A_101, %mul3A_103 : vector<16xi32>
    %get3A_105 = arith.constant 112 : index
    %get3A_106 = tpu.vector_load %arg7[%get3A_105] {strides = array<i32>} : memref<512xi32, #tpu.memory_space<vmem>>, vector<16xi32>,
    %get3A_107 = vector.shape_cast %get3A_106 : vector<16xi32> to vector<16xi32>
    %add3A_108 = arith.addi %mul3A_104, %get3A_107 : vector<16xi32>
    %swap3A_109 = arith.constant 112 : index
    %swap3A_110 = tpu.vector_load %arg8[%swap3A_109] {strides = array<i32>} : memref<512xi32, #tpu.memory_space<vmem>>, vector<16xi32>,
    %swap3A_111 = vector.shape_cast %swap3A_110 : vector<16xi32> to vector<16xi32>
    %swap3A_112 = vector.shape_cast %add3A_108 : vector<16xi32> to vector<16xi32>
    tpu.vector_store %arg8[%swap3A_109], %swap3A_112 {strides = array<i32>} : memref<512xi32, #tpu.memory_space<vmem>>, vector<16xi32>,
    %get3A_113 = arith.constant 128 : index
    %get3A_114 = tpu.vector_load %arg6[%get3A_113] {strides = array<i32>} : memref<512xi32, #tpu.memory_space<vmem>>, vector<16xi32>,
    %get3A_115 = vector.shape_cast %get3A_114 : vector<16xi32> to vector<16xi32>
    %mul3A_116 = arith.constant 100 : i32
    %mul3A_117 = vector.broadcast %mul3A_116 : i32 to vector<16xi32>
    %mul3A_118 = arith.muli %get3A_115, %mul3A_117 : vector<16xi32>
    %get3A_119 = arith.constant 128 : index
    %get3A_120 = tpu.vector_load %arg7[%get3A_119] {strides = array<i32>} : memref<512xi32, #tpu.memory_space<vmem>>, vector<16xi32>,
    %get3A_121 = vector.shape_cast %get3A_120 : vector<16xi32> to vector<16xi32>
    %add3A_122 = arith.addi %mul3A_118, %get3A_121 : vector<16xi32>
    %swap3A_123 = arith.constant 128 : index
    %swap3A_124 = tpu.vector_load %arg8[%swap3A_123] {strides = array<i32>} : memref<512xi32, #tpu.memory_space<vmem>>, vector<16xi32>,
    %swap3A_125 = vector.shape_cast %swap3A_124 : vector<16xi32> to vector<16xi32>
    %swap3A_126 = vector.shape_cast %add3A_122 : vector<16xi32> to vector<16xi32>
    tpu.vector_store %arg8[%swap3A_123], %swap3A_126 {strides = array<i32>} : memref<512xi32, #tpu.memory_space<vmem>>, vector<16xi32>,
    %get3A_127 = arith.constant 144 : index
    %get3A_128 = tpu.vector_load %arg6[%get3A_127] {strides = array<i32>} : memref<512xi32, #tpu.memory_space<vmem>>, vector<16xi32>,
    %get3A_129 = vector.shape_cast %get3A_128 : vector<16xi32> to vector<16xi32>
    %mul3A_130 = arith.constant 100 : i32
    %mul3A_131 = vector.broadcast %mul3A_130 : i32 to vector<16xi32>
    %mul3A_132 = arith.muli %get3A_129, %mul3A_131 : vector<16xi32>
    %get3A_133 = arith.constant 144 : index
    %get3A_134 = tpu.vector_load %arg7[%get3A_133] {strides = array<i32>} : memref<512xi32, #tpu.memory_space<vmem>>, vector<16xi32>,
    %get3A_135 = vector.shape_cast %get3A_134 : vector<16xi32> to vector<16xi32>
    %add3A_136 = arith.addi %mul3A_132, %get3A_135 : vector<16xi32>
    %swap3A_137 = arith.constant 144 : index
    %swap3A_138 = tpu.vector_load %arg8[%swap3A_137] {strides = array<i32>} : memref<512xi32, #tpu.memory_space<vmem>>, vector<16xi32>,
    %swap3A_139 = vector.shape_cast %swap3A_138 : vector<16xi32> to vector<16xi32>
    %swap3A_140 = vector.shape_cast %add3A_136 : vector<16xi32> to vector<16xi32>
    tpu.vector_store %arg8[%swap3A_137], %swap3A_140 {strides = array<i32>} : memref<512xi32, #tpu.memory_space<vmem>>, vector<16xi32>,
    %get3A_141 = arith.constant 160 : index
    %get3A_142 = tpu.vector_load %arg6[%get3A_141] {strides = array<i32>} : memref<512xi32, #tpu.memory_space<vmem>>, vector<16xi32>,
    %get3A_143 = vector.shape_cast %get3A_142 : vector<16xi32> to vector<16xi32>
    %mul3A_144 = arith.constant 100 : i32
    %mul3A_145 = vector.broadcast %mul3A_144 : i32 to vector<16xi32>
    %mul3A_146 = arith.muli %get3A_143, %mul3A_145 : vector<16xi32>
    %get3A_147 = arith.constant 160 : index
    %get3A_148 = tpu.vector_load %arg7[%get3A_147] {strides = array<i32>} : memref<512xi32, #tpu.memory_space<vmem>>, vector<16xi32>,
    %get3A_149 = vector.shape_cast %get3A_148 : vector<16xi32> to vector<16xi32>
    %add3A_150 = arith.addi %mul3A_146, %get3A_149 : vector<16xi32>
    %swap3A_151 = arith.constant 160 : index
    %swap3A_152 = tpu.vector_load %arg8[%swap3A_151] {strides = array<i32>} : memref<512xi32, #tpu.memory_space<vmem>>, vector<16xi32>,
    %swap3A_153 = vector.shape_cast %swap3A_152 : vector<16xi32> to vector<16xi32>
    %swap3A_154 = vector.shape_cast %add3A_150 : vector<16xi32> to vector<16xi32>
    tpu.vector_store %arg8[%swap3A_151], %swap3A_154 {strides = array<i32>} : memref<512xi32, #tpu.memory_space<vmem>>, vector<16xi32>,
    %get3A_155 = arith.constant 176 : index
    %get3A_156 = tpu.vector_load %arg6[%get3A_155] {strides = array<i32>} : memref<512xi32, #tpu.memory_space<vmem>>, vector<16xi32>,
    %get3A_157 = vector.shape_cast %get3A_156 : vector<16xi32> to vector<16xi32>
    %mul3A_158 = arith.constant 100 : i32
    %mul3A_159 = vector.broadcast %mul3A_158 : i32 to vector<16xi32>
    %mul3A_160 = arith.muli %get3A_157, %mul3A_159 : vector<16xi32>
    %get3A_161 = arith.constant 176 : index
    %get3A_162 = tpu.vector_load %arg7[%get3A_161] {strides = array<i32>} : memref<512xi32, #tpu.memory_space<vmem>>, vector<16xi32>,
    %get3A_163 = vector.shape_cast %get3A_162 : vector<16xi32> to vector<16xi32>
    %add3A_164 = arith.addi %mul3A_160, %get3A_163 : vector<16xi32>
    %swap3A_165 = arith.constant 176 : index
    %swap3A_166 = tpu.vector_load %arg8[%swap3A_165] {strides = array<i32>} : memref<512xi32, #tpu.memory_space<vmem>>, vector<16xi32>,
    %swap3A_167 = vector.shape_cast %swap3A_166 : vector<16xi32> to vector<16xi32>
    %swap3A_168 = vector.shape_cast %add3A_164 : vector<16xi32> to vector<16xi32>
    tpu.vector_store %arg8[%swap3A_165], %swap3A_168 {strides = array<i32>} : memref<512xi32, #tpu.memory_space<vmem>>, vector<16xi32>,
    %get3A_169 = arith.constant 192 : index
    %get3A_170 = tpu.vector_load %arg6[%get3A_169] {strides = array<i32>} : memref<512xi32, #tpu.memory_space<vmem>>, vector<16xi32>,
    %get3A_171 = vector.shape_cast %get3A_170 : vector<16xi32> to vector<16xi32>
    %mul3A_172 = arith.constant 100 : i32
    %mul3A_173 = vector.broadcast %mul3A_172 : i32 to vector<16xi32>
    %mul3A_174 = arith.muli %get3A_171, %mul3A_173 : vector<16xi32>
    %get3A_175 = arith.constant 192 : index
    %get3A_176 = tpu.vector_load %arg7[%get3A_175] {strides = array<i32>} : memref<512xi32, #tpu.memory_space<vmem>>, vector<16xi32>,
    %get3A_177 = vector.shape_cast %get3A_176 : vector<16xi32> to vector<16xi32>
    %add3A_178 = arith.addi %mul3A_174, %get3A_177 : vector<16xi32>
    %swap3A_179 = arith.constant 192 : index
    %swap3A_180 = tpu.vector_load %arg8[%swap3A_179] {strides = array<i32>} : memref<512xi32, #tpu.memory_space<vmem>>, vector<16xi32>,
    %swap3A_181 = vector.shape_cast %swap3A_180 : vector<16xi32> to vector<16xi32>
    %swap3A_182 = vector.shape_cast %add3A_178 : vector<16xi32> to vector<16xi32>
    tpu.vector_store %arg8[%swap3A_179], %swap3A_182 {strides = array<i32>} : memref<512xi32, #tpu.memory_space<vmem>>, vector<16xi32>,
    %get3A_183 = arith.constant 208 : index
    %get3A_184 = tpu.vector_load %arg6[%get3A_183] {strides = array<i32>} : memref<512xi32, #tpu.memory_space<vmem>>, vector<16xi32>,
    %get3A_185 = vector.shape_cast %get3A_184 : vector<16xi32> to vector<16xi32>
    %mul3A_186 = arith.constant 100 : i32
    %mul3A_187 = vector.broadcast %mul3A_186 : i32 to vector<16xi32>
    %mul3A_188 = arith.muli %get3A_185, %mul3A_187 : vector<16xi32>
    %get3A_189 = arith.constant 208 : index
    %get3A_190 = tpu.vector_load %arg7[%get3A_189] {strides = array<i32>} : memref<512xi32, #tpu.memory_space<vmem>>, vector<16xi32>,
    %get3A_191 = vector.shape_cast %get3A_190 : vector<16xi32> to vector<16xi32>
    %add3A_192 = arith.addi %mul3A_188, %get3A_191 : vector<16xi32>
    %swap3A_193 = arith.constant 208 : index
    %swap3A_194 = tpu.vector_load %arg8[%swap3A_193] {strides = array<i32>} : memref<512xi32, #tpu.memory_space<vmem>>, vector<16xi32>,
    %swap3A_195 = vector.shape_cast %swap3A_194 : vector<16xi32> to vector<16xi32>
    %swap3A_196 = vector.shape_cast %add3A_192 : vector<16xi32> to vector<16xi32>
    tpu.vector_store %arg8[%swap3A_193], %swap3A_196 {strides = array<i32>} : memref<512xi32, #tpu.memory_space<vmem>>, vector<16xi32>,
    %get3A_197 = arith.constant 224 : index
    %get3A_198 = tpu.vector_load %arg6[%get3A_197] {strides = array<i32>} : memref<512xi32, #tpu.memory_space<vmem>>, vector<16xi32>,
    %get3A_199 = vector.shape_cast %get3A_198 : vector<16xi32> to vector<16xi32>
    %mul3A_200 = arith.constant 100 : i32
    %mul3A_201 = vector.broadcast %mul3A_200 : i32 to vector<16xi32>
    %mul3A_202 = arith.muli %get3A_199, %mul3A_201 : vector<16xi32>
    %get3A_203 = arith.constant 224 : index
    %get3A_204 = tpu.vector_load %arg7[%get3A_203] {strides = array<i32>} : memref<512xi32, #tpu.memory_space<vmem>>, vector<16xi32>,
    %get3A_205 = vector.shape_cast %get3A_204 : vector<16xi32> to vector<16xi32>
    %add3A_206 = arith.addi %mul3A_202, %get3A_205 : vector<16xi32>
    %swap3A_207 = arith.constant 224 : index
    %swap3A_208 = tpu.vector_load %arg8[%swap3A_207] {strides = array<i32>} : memref<512xi32, #tpu.memory_space<vmem>>, vector<16xi32>,
    %swap3A_209 = vector.shape_cast %swap3A_208 : vector<16xi32> to vector<16xi32>
    %swap3A_210 = vector.shape_cast %add3A_206 : vector<16xi32> to vector<16xi32>
    tpu.vector_store %arg8[%swap3A_207], %swap3A_210 {strides = array<i32>} : memref<512xi32, #tpu.memory_space<vmem>>, vector<16xi32>,
    %get3A_211 = arith.constant 240 : index
    %get3A_212 = tpu.vector_load %arg6[%get3A_211] {strides = array<i32>} : memref<512xi32, #tpu.memory_space<vmem>>, vector<16xi32>,
    %get3A_213 = vector.shape_cast %get3A_212 : vector<16xi32> to vector<16xi32>
    %mul3A_214 = arith.constant 100 : i32
    %mul3A_215 = vector.broadcast %mul3A_214 : i32 to vector<16xi32>
    %mul3A_216 = arith.muli %get3A_213, %mul3A_215 : vector<16xi32>
    %get3A_217 = arith.constant 240 : index
    %get3A_218 = tpu.vector_load %arg7[%get3A_217] {strides = array<i32>} : memref<512xi32, #tpu.memory_space<vmem>>, vector<16xi32>,
    %get3A_219 = vector.shape_cast %get3A_218 : vector<16xi32> to vector<16xi32>
    %add3A_220 = arith.addi %mul3A_216, %get3A_219 : vector<16xi32>
    %swap3A_221 = arith.constant 240 : index
    %swap3A_222 = tpu.vector_load %arg8[%swap3A_221] {strides = array<i32>} : memref<512xi32, #tpu.memory_space<vmem>>, vector<16xi32>,
    %swap3A_223 = vector.shape_cast %swap3A_222 : vector<16xi32> to vector<16xi32>
    %swap3A_224 = vector.shape_cast %add3A_220 : vector<16xi32> to vector<16xi32>
    tpu.vector_store %arg8[%swap3A_221], %swap3A_224 {strides = array<i32>} : memref<512xi32, #tpu.memory_space<vmem>>, vector<16xi32>,
    %get3A_225 = arith.constant 256 : index
    %get3A_226 = tpu.vector_load %arg6[%get3A_225] {strides = array<i32>} : memref<512xi32, #tpu.memory_space<vmem>>, vector<16xi32>,
    %get3A_227 = vector.shape_cast %get3A_226 : vector<16xi32> to vector<16xi32>
    %mul3A_228 = arith.constant 100 : i32
    %mul3A_229 = vector.broadcast %mul3A_228 : i32 to vector<16xi32>
    %mul3A_230 = arith.muli %get3A_227, %mul3A_229 : vector<16xi32>
    %get3A_231 = arith.constant 256 : index
    %get3A_232 = tpu.vector_load %arg7[%get3A_231] {strides = array<i32>} : memref<512xi32, #tpu.memory_space<vmem>>, vector<16xi32>,
    %get3A_233 = vector.shape_cast %get3A_232 : vector<16xi32> to vector<16xi32>
    %add3A_234 = arith.addi %mul3A_230, %get3A_233 : vector<16xi32>
    %swap3A_235 = arith.constant 256 : index
    %swap3A_236 = tpu.vector_load %arg8[%swap3A_235] {strides = array<i32>} : memref<512xi32, #tpu.memory_space<vmem>>, vector<16xi32>,
    %swap3A_237 = vector.shape_cast %swap3A_236 : vector<16xi32> to vector<16xi32>
    %swap3A_238 = vector.shape_cast %add3A_234 : vector<16xi32> to vector<16xi32>
    tpu.vector_store %arg8[%swap3A_235], %swap3A_238 {strides = array<i32>} : memref<512xi32, #tpu.memory_space<vmem>>, vector<16xi32>,
    %get3A_239 = arith.constant 272 : index
    %get3A_240 = tpu.vector_load %arg6[%get3A_239] {strides = array<i32>} : memref<512xi32, #tpu.memory_space<vmem>>, vector<16xi32>,
    %get3A_241 = vector.shape_cast %get3A_240 : vector<16xi32> to vector<16xi32>
    %mul3A_242 = arith.constant 100 : i32
    %mul3A_243 = vector.broadcast %mul3A_242 : i32 to vector<16xi32>
    %mul3A_244 = arith.muli %get3A_241, %mul3A_243 : vector<16xi32>
    %get3A_245 = arith.constant 272 : index
    %get3A_246 = tpu.vector_load %arg7[%get3A_245] {strides = array<i32>} : memref<512xi32, #tpu.memory_space<vmem>>, vector<16xi32>,
    %get3A_247 = vector.shape_cast %get3A_246 : vector<16xi32> to vector<16xi32>
    %add3A_248 = arith.addi %mul3A_244, %get3A_247 : vector<16xi32>
    %swap3A_249 = arith.constant 272 : index
    %swap3A_250 = tpu.vector_load %arg8[%swap3A_249] {strides = array<i32>} : memref<512xi32, #tpu.memory_space<vmem>>, vector<16xi32>,
    %swap3A_251 = vector.shape_cast %swap3A_250 : vector<16xi32> to vector<16xi32>
    %swap3A_252 = vector.shape_cast %add3A_248 : vector<16xi32> to vector<16xi32>
    tpu.vector_store %arg8[%swap3A_249], %swap3A_252 {strides = array<i32>} : memref<512xi32, #tpu.memory_space<vmem>>, vector<16xi32>,
    %get3A_253 = arith.constant 288 : index
    %get3A_254 = tpu.vector_load %arg6[%get3A_253] {strides = array<i32>} : memref<512xi32, #tpu.memory_space<vmem>>, vector<16xi32>,
    %get3A_255 = vector.shape_cast %get3A_254 : vector<16xi32> to vector<16xi32>
    %mul3A_256 = arith.constant 100 : i32
    %mul3A_257 = vector.broadcast %mul3A_256 : i32 to vector<16xi32>
    %mul3A_258 = arith.muli %get3A_255, %mul3A_257 : vector<16xi32>
    %get3A_259 = arith.constant 288 : index
    %get3A_260 = tpu.vector_load %arg7[%get3A_259] {strides = array<i32>} : memref<512xi32, #tpu.memory_space<vmem>>, vector<16xi32>,
    %get3A_261 = vector.shape_cast %get3A_260 : vector<16xi32> to vector<16xi32>
    %add3A_262 = arith.addi %mul3A_258, %get3A_261 : vector<16xi32>
    %swap3A_263 = arith.constant 288 : index
    %swap3A_264 = tpu.vector_load %arg8[%swap3A_263] {strides = array<i32>} : memref<512xi32, #tpu.memory_space<vmem>>, vector<16xi32>,
    %swap3A_265 = vector.shape_cast %swap3A_264 : vector<16xi32> to vector<16xi32>
    %swap3A_266 = vector.shape_cast %add3A_262 : vector<16xi32> to vector<16xi32>
    tpu.vector_store %arg8[%swap3A_263], %swap3A_266 {strides = array<i32>} : memref<512xi32, #tpu.memory_space<vmem>>, vector<16xi32>,
    %get3A_267 = arith.constant 304 : index
    %get3A_268 = tpu.vector_load %arg6[%get3A_267] {strides = array<i32>} : memref<512xi32, #tpu.memory_space<vmem>>, vector<16xi32>,
    %get3A_269 = vector.shape_cast %get3A_268 : vector<16xi32> to vector<16xi32>
    %mul3A_270 = arith.constant 100 : i32
    %mul3A_271 = vector.broadcast %mul3A_270 : i32 to vector<16xi32>
    %mul3A_272 = arith.muli %get3A_269, %mul3A_271 : vector<16xi32>
    %get3A_273 = arith.constant 304 : index
    %get3A_274 = tpu.vector_load %arg7[%get3A_273] {strides = array<i32>} : memref<512xi32, #tpu.memory_space<vmem>>, vector<16xi32>,
    %get3A_275 = vector.shape_cast %get3A_274 : vector<16xi32> to vector<16xi32>
    %add3A_276 = arith.addi %mul3A_272, %get3A_275 : vector<16xi32>
    %swap3A_277 = arith.constant 304 : index
    %swap3A_278 = tpu.vector_load %arg8[%swap3A_277] {strides = array<i32>} : memref<512xi32, #tpu.memory_space<vmem>>, vector<16xi32>,
    %swap3A_279 = vector.shape_cast %swap3A_278 : vector<16xi32> to vector<16xi32>
    %swap3A_280 = vector.shape_cast %add3A_276 : vector<16xi32> to vector<16xi32>
    tpu.vector_store %arg8[%swap3A_277], %swap3A_280 {strides = array<i32>} : memref<512xi32, #tpu.memory_space<vmem>>, vector<16xi32>,
    %get3A_281 = arith.constant 320 : index
    %get3A_282 = tpu.vector_load %arg6[%get3A_281] {strides = array<i32>} : memref<512xi32, #tpu.memory_space<vmem>>, vector<16xi32>,
    %get3A_283 = vector.shape_cast %get3A_282 : vector<16xi32> to vector<16xi32>
    %mul3A_284 = arith.constant 100 : i32
    %mul3A_285 = vector.broadcast %mul3A_284 : i32 to vector<16xi32>
    %mul3A_286 = arith.muli %get3A_283, %mul3A_285 : vector<16xi32>
    %get3A_287 = arith.constant 320 : index
    %get3A_288 = tpu.vector_load %arg7[%get3A_287] {strides = array<i32>} : memref<512xi32, #tpu.memory_space<vmem>>, vector<16xi32>,
    %get3A_289 = vector.shape_cast %get3A_288 : vector<16xi32> to vector<16xi32>
    %add3A_290 = arith.addi %mul3A_286, %get3A_289 : vector<16xi32>
    %swap3A_291 = arith.constant 320 : index
    %swap3A_292 = tpu.vector_load %arg8[%swap3A_291] {strides = array<i32>} : memref<512xi32, #tpu.memory_space<vmem>>, vector<16xi32>,
    %swap3A_293 = vector.shape_cast %swap3A_292 : vector<16xi32> to vector<16xi32>
    %swap3A_294 = vector.shape_cast %add3A_290 : vector<16xi32> to vector<16xi32>
    tpu.vector_store %arg8[%swap3A_291], %swap3A_294 {strides = array<i32>} : memref<512xi32, #tpu.memory_space<vmem>>, vector<16xi32>,
    %get3A_295 = arith.constant 336 : index
    %get3A_296 = tpu.vector_load %arg6[%get3A_295] {strides = array<i32>} : memref<512xi32, #tpu.memory_space<vmem>>, vector<16xi32>,
    %get3A_297 = vector.shape_cast %get3A_296 : vector<16xi32> to vector<16xi32>
    %mul3A_298 = arith.constant 100 : i32
    %mul3A_299 = vector.broadcast %mul3A_298 : i32 to vector<16xi32>
    %mul3A_300 = arith.muli %get3A_297, %mul3A_299 : vector<16xi32>
    %get3A_301 = arith.constant 336 : index
    %get3A_302 = tpu.vector_load %arg7[%get3A_301] {strides = array<i32>} : memref<512xi32, #tpu.memory_space<vmem>>, vector<16xi32>,
    %get3A_303 = vector.shape_cast %get3A_302 : vector<16xi32> to vector<16xi32>
    %add3A_304 = arith.addi %mul3A_300, %get3A_303 : vector<16xi32>
    %swap3A_305 = arith.constant 336 : index
    %swap3A_306 = tpu.vector_load %arg8[%swap3A_305] {strides = array<i32>} : memref<512xi32, #tpu.memory_space<vmem>>, vector<16xi32>,
    %swap3A_307 = vector.shape_cast %swap3A_306 : vector<16xi32> to vector<16xi32>
    %swap3A_308 = vector.shape_cast %add3A_304 : vector<16xi32> to vector<16xi32>
    tpu.vector_store %arg8[%swap3A_305], %swap3A_308 {strides = array<i32>} : memref<512xi32, #tpu.memory_space<vmem>>, vector<16xi32>,
    %get3A_309 = arith.constant 352 : index
    %get3A_310 = tpu.vector_load %arg6[%get3A_309] {strides = array<i32>} : memref<512xi32, #tpu.memory_space<vmem>>, vector<16xi32>,
    %get3A_311 = vector.shape_cast %get3A_310 : vector<16xi32> to vector<16xi32>
    %mul3A_312 = arith.constant 100 : i32
    %mul3A_313 = vector.broadcast %mul3A_312 : i32 to vector<16xi32>
    %mul3A_314 = arith.muli %get3A_311, %mul3A_313 : vector<16xi32>
    %get3A_315 = arith.constant 352 : index
    %get3A_316 = tpu.vector_load %arg7[%get3A_315] {strides = array<i32>} : memref<512xi32, #tpu.memory_space<vmem>>, vector<16xi32>,
    %get3A_317 = vector.shape_cast %get3A_316 : vector<16xi32> to vector<16xi32>
    %add3A_318 = arith.addi %mul3A_314, %get3A_317 : vector<16xi32>
    %swap3A_319 = arith.constant 352 : index
    %swap3A_320 = tpu.vector_load %arg8[%swap3A_319] {strides = array<i32>} : memref<512xi32, #tpu.memory_space<vmem>>, vector<16xi32>,
    %swap3A_321 = vector.shape_cast %swap3A_320 : vector<16xi32> to vector<16xi32>
    %swap3A_322 = vector.shape_cast %add3A_318 : vector<16xi32> to vector<16xi32>
    tpu.vector_store %arg8[%swap3A_319], %swap3A_322 {strides = array<i32>} : memref<512xi32, #tpu.memory_space<vmem>>, vector<16xi32>,
    %get3A_323 = arith.constant 368 : index
    %get3A_324 = tpu.vector_load %arg6[%get3A_323] {strides = array<i32>} : memref<512xi32, #tpu.memory_space<vmem>>, vector<16xi32>,
    %get3A_325 = vector.shape_cast %get3A_324 : vector<16xi32> to vector<16xi32>
    %mul3A_326 = arith.constant 100 : i32
    %mul3A_327 = vector.broadcast %mul3A_326 : i32 to vector<16xi32>
    %mul3A_328 = arith.muli %get3A_325, %mul3A_327 : vector<16xi32>
    %get3A_329 = arith.constant 368 : index
    %get3A_330 = tpu.vector_load %arg7[%get3A_329] {strides = array<i32>} : memref<512xi32, #tpu.memory_space<vmem>>, vector<16xi32>,
    %get3A_331 = vector.shape_cast %get3A_330 : vector<16xi32> to vector<16xi32>
    %add3A_332 = arith.addi %mul3A_328, %get3A_331 : vector<16xi32>
    %swap3A_333 = arith.constant 368 : index
    %swap3A_334 = tpu.vector_load %arg8[%swap3A_333] {strides = array<i32>} : memref<512xi32, #tpu.memory_space<vmem>>, vector<16xi32>,
    %swap3A_335 = vector.shape_cast %swap3A_334 : vector<16xi32> to vector<16xi32>
    %swap3A_336 = vector.shape_cast %add3A_332 : vector<16xi32> to vector<16xi32>
    tpu.vector_store %arg8[%swap3A_333], %swap3A_336 {strides = array<i32>} : memref<512xi32, #tpu.memory_space<vmem>>, vector<16xi32>,
    %get3A_337 = arith.constant 384 : index
    %get3A_338 = tpu.vector_load %arg6[%get3A_337] {strides = array<i32>} : memref<512xi32, #tpu.memory_space<vmem>>, vector<16xi32>,
    %get3A_339 = vector.shape_cast %get3A_338 : vector<16xi32> to vector<16xi32>
    %mul3A_340 = arith.constant 100 : i32
    %mul3A_341 = vector.broadcast %mul3A_340 : i32 to vector<16xi32>
    %mul3A_342 = arith.muli %get3A_339, %mul3A_341 : vector<16xi32>
    %get3A_343 = arith.constant 384 : index
    %get3A_344 = tpu.vector_load %arg7[%get3A_343] {strides = array<i32>} : memref<512xi32, #tpu.memory_space<vmem>>, vector<16xi32>,
    %get3A_345 = vector.shape_cast %get3A_344 : vector<16xi32> to vector<16xi32>
    %add3A_346 = arith.addi %mul3A_342, %get3A_345 : vector<16xi32>
    %swap3A_347 = arith.constant 384 : index
    %swap3A_348 = tpu.vector_load %arg8[%swap3A_347] {strides = array<i32>} : memref<512xi32, #tpu.memory_space<vmem>>, vector<16xi32>,
    %swap3A_349 = vector.shape_cast %swap3A_348 : vector<16xi32> to vector<16xi32>
    %swap3A_350 = vector.shape_cast %add3A_346 : vector<16xi32> to vector<16xi32>
    tpu.vector_store %arg8[%swap3A_347], %swap3A_350 {strides = array<i32>} : memref<512xi32, #tpu.memory_space<vmem>>, vector<16xi32>,
    %get3A_351 = arith.constant 400 : index
    %get3A_352 = tpu.vector_load %arg6[%get3A_351] {strides = array<i32>} : memref<512xi32, #tpu.memory_space<vmem>>, vector<16xi32>,
    %get3A_353 = vector.shape_cast %get3A_352 : vector<16xi32> to vector<16xi32>
    %mul3A_354 = arith.constant 100 : i32
    %mul3A_355 = vector.broadcast %mul3A_354 : i32 to vector<16xi32>
    %mul3A_356 = arith.muli %get3A_353, %mul3A_355 : vector<16xi32>
    %get3A_357 = arith.constant 400 : index
    %get3A_358 = tpu.vector_load %arg7[%get3A_357] {strides = array<i32>} : memref<512xi32, #tpu.memory_space<vmem>>, vector<16xi32>,
    %get3A_359 = vector.shape_cast %get3A_358 : vector<16xi32> to vector<16xi32>
    %add3A_360 = arith.addi %mul3A_356, %get3A_359 : vector<16xi32>
    %swap3A_361 = arith.constant 400 : index
    %swap3A_362 = tpu.vector_load %arg8[%swap3A_361] {strides = array<i32>} : memref<512xi32, #tpu.memory_space<vmem>>, vector<16xi32>,
    %swap3A_363 = vector.shape_cast %swap3A_362 : vector<16xi32> to vector<16xi32>
    %swap3A_364 = vector.shape_cast %add3A_360 : vector<16xi32> to vector<16xi32>
    tpu.vector_store %arg8[%swap3A_361], %swap3A_364 {strides = array<i32>} : memref<512xi32, #tpu.memory_space<vmem>>, vector<16xi32>,
    %get3A_365 = arith.constant 416 : index
    %get3A_366 = tpu.vector_load %arg6[%get3A_365] {strides = array<i32>} : memref<512xi32, #tpu.memory_space<vmem>>, vector<16xi32>,
    %get3A_367 = vector.shape_cast %get3A_366 : vector<16xi32> to vector<16xi32>
    %mul3A_368 = arith.constant 100 : i32
    %mul3A_369 = vector.broadcast %mul3A_368 : i32 to vector<16xi32>
    %mul3A_370 = arith.muli %get3A_367, %mul3A_369 : vector<16xi32>
    %get3A_371 = arith.constant 416 : index
    %get3A_372 = tpu.vector_load %arg7[%get3A_371] {strides = array<i32>} : memref<512xi32, #tpu.memory_space<vmem>>, vector<16xi32>,
    %get3A_373 = vector.shape_cast %get3A_372 : vector<16xi32> to vector<16xi32>
    %add3A_374 = arith.addi %mul3A_370, %get3A_373 : vector<16xi32>
    %swap3A_375 = arith.constant 416 : index
    %swap3A_376 = tpu.vector_load %arg8[%swap3A_375] {strides = array<i32>} : memref<512xi32, #tpu.memory_space<vmem>>, vector<16xi32>,
    %swap3A_377 = vector.shape_cast %swap3A_376 : vector<16xi32> to vector<16xi32>
    %swap3A_378 = vector.shape_cast %add3A_374 : vector<16xi32> to vector<16xi32>
    tpu.vector_store %arg8[%swap3A_375], %swap3A_378 {strides = array<i32>} : memref<512xi32, #tpu.memory_space<vmem>>, vector<16xi32>,
    %get3A_379 = arith.constant 432 : index
    %get3A_380 = tpu.vector_load %arg6[%get3A_379] {strides = array<i32>} : memref<512xi32, #tpu.memory_space<vmem>>, vector<16xi32>,
    %get3A_381 = vector.shape_cast %get3A_380 : vector<16xi32> to vector<16xi32>
    %mul3A_382 = arith.constant 100 : i32
    %mul3A_383 = vector.broadcast %mul3A_382 : i32 to vector<16xi32>
    %mul3A_384 = arith.muli %get3A_381, %mul3A_383 : vector<16xi32>
    %get3A_385 = arith.constant 432 : index
    %get3A_386 = tpu.vector_load %arg7[%get3A_385] {strides = array<i32>} : memref<512xi32, #tpu.memory_space<vmem>>, vector<16xi32>,
    %get3A_387 = vector.shape_cast %get3A_386 : vector<16xi32> to vector<16xi32>
    %add3A_388 = arith.addi %mul3A_384, %get3A_387 : vector<16xi32>
    %swap3A_389 = arith.constant 432 : index
    %swap3A_390 = tpu.vector_load %arg8[%swap3A_389] {strides = array<i32>} : memref<512xi32, #tpu.memory_space<vmem>>, vector<16xi32>,
    %swap3A_391 = vector.shape_cast %swap3A_390 : vector<16xi32> to vector<16xi32>
    %swap3A_392 = vector.shape_cast %add3A_388 : vector<16xi32> to vector<16xi32>
    tpu.vector_store %arg8[%swap3A_389], %swap3A_392 {strides = array<i32>} : memref<512xi32, #tpu.memory_space<vmem>>, vector<16xi32>,
    %get3A_393 = arith.constant 448 : index
    %get3A_394 = tpu.vector_load %arg6[%get3A_393] {strides = array<i32>} : memref<512xi32, #tpu.memory_space<vmem>>, vector<16xi32>,
    %get3A_395 = vector.shape_cast %get3A_394 : vector<16xi32> to vector<16xi32>
    %mul3A_396 = arith.constant 100 : i32
    %mul3A_397 = vector.broadcast %mul3A_396 : i32 to vector<16xi32>
    %mul3A_398 = arith.muli %get3A_395, %mul3A_397 : vector<16xi32>
    %get3A_399 = arith.constant 448 : index
    %get3A_400 = tpu.vector_load %arg7[%get3A_399] {strides = array<i32>} : memref<512xi32, #tpu.memory_space<vmem>>, vector<16xi32>,
    %get3A_401 = vector.shape_cast %get3A_400 : vector<16xi32> to vector<16xi32>
    %add3A_402 = arith.addi %mul3A_398, %get3A_401 : vector<16xi32>
    %swap3A_403 = arith.constant 448 : index
    %swap3A_404 = tpu.vector_load %arg8[%swap3A_403] {strides = array<i32>} : memref<512xi32, #tpu.memory_space<vmem>>, vector<16xi32>,
    %swap3A_405 = vector.shape_cast %swap3A_404 : vector<16xi32> to vector<16xi32>
    %swap3A_406 = vector.shape_cast %add3A_402 : vector<16xi32> to vector<16xi32>
    tpu.vector_store %arg8[%swap3A_403], %swap3A_406 {strides = array<i32>} : memref<512xi32, #tpu.memory_space<vmem>>, vector<16xi32>,
    %get3A_407 = arith.constant 464 : index
    %get3A_408 = tpu.vector_load %arg6[%get3A_407] {strides = array<i32>} : memref<512xi32, #tpu.memory_space<vmem>>, vector<16xi32>,
    %get3A_409 = vector.shape_cast %get3A_408 : vector<16xi32> to vector<16xi32>
    %mul3A_410 = arith.constant 100 : i32
    %mul3A_411 = vector.broadcast %mul3A_410 : i32 to vector<16xi32>
    %mul3A_412 = arith.muli %get3A_409, %mul3A_411 : vector<16xi32>
    %get3A_413 = arith.constant 464 : index
    %get3A_414 = tpu.vector_load %arg7[%get3A_413] {strides = array<i32>} : memref<512xi32, #tpu.memory_space<vmem>>, vector<16xi32>,
    %get3A_415 = vector.shape_cast %get3A_414 : vector<16xi32> to vector<16xi32>
    %add3A_416 = arith.addi %mul3A_412, %get3A_415 : vector<16xi32>
    %swap3A_417 = arith.constant 464 : index
    %swap3A_418 = tpu.vector_load %arg8[%swap3A_417] {strides = array<i32>} : memref<512xi32, #tpu.memory_space<vmem>>, vector<16xi32>,
    %swap3A_419 = vector.shape_cast %swap3A_418 : vector<16xi32> to vector<16xi32>
    %swap3A_420 = vector.shape_cast %add3A_416 : vector<16xi32> to vector<16xi32>
    tpu.vector_store %arg8[%swap3A_417], %swap3A_420 {strides = array<i32>} : memref<512xi32, #tpu.memory_space<vmem>>, vector<16xi32>,
    %get3A_421 = arith.constant 480 : index
    %get3A_422 = tpu.vector_load %arg6[%get3A_421] {strides = array<i32>} : memref<512xi32, #tpu.memory_space<vmem>>, vector<16xi32>,
    %get3A_423 = vector.shape_cast %get3A_422 : vector<16xi32> to vector<16xi32>
    %mul3A_424 = arith.constant 100 : i32
    %mul3A_425 = vector.broadcast %mul3A_424 : i32 to vector<16xi32>
    %mul3A_426 = arith.muli %get3A_423, %mul3A_425 : vector<16xi32>
    %get3A_427 = arith.constant 480 : index
    %get3A_428 = tpu.vector_load %arg7[%get3A_427] {strides = array<i32>} : memref<512xi32, #tpu.memory_space<vmem>>, vector<16xi32>,
    %get3A_429 = vector.shape_cast %get3A_428 : vector<16xi32> to vector<16xi32>
    %add3A_430 = arith.addi %mul3A_426, %get3A_429 : vector<16xi32>
    %swap3A_431 = arith.constant 480 : index
    %swap3A_432 = tpu.vector_load %arg8[%swap3A_431] {strides = array<i32>} : memref<512xi32, #tpu.memory_space<vmem>>, vector<16xi32>,
    %swap3A_433 = vector.shape_cast %swap3A_432 : vector<16xi32> to vector<16xi32>
    %swap3A_434 = vector.shape_cast %add3A_430 : vector<16xi32> to vector<16xi32>
    tpu.vector_store %arg8[%swap3A_431], %swap3A_434 {strides = array<i32>} : memref<512xi32, #tpu.memory_space<vmem>>, vector<16xi32>,
    %get3A_435 = arith.constant 496 : index
    %get3A_436 = tpu.vector_load %arg6[%get3A_435] {strides = array<i32>} : memref<512xi32, #tpu.memory_space<vmem>>, vector<16xi32>,
    %get3A_437 = vector.shape_cast %get3A_436 : vector<16xi32> to vector<16xi32>
    %mul3A_438 = arith.constant 100 : i32
    %mul3A_439 = vector.broadcast %mul3A_438 : i32 to vector<16xi32>
    %mul3A_440 = arith.muli %get3A_437, %mul3A_439 : vector<16xi32>
    %get3A_441 = arith.constant 496 : index
    %get3A_442 = tpu.vector_load %arg7[%get3A_441] {strides = array<i32>} : memref<512xi32, #tpu.memory_space<vmem>>, vector<16xi32>,
    %get3A_443 = vector.shape_cast %get3A_442 : vector<16xi32> to vector<16xi32>
    %add3A_444 = arith.addi %mul3A_440, %get3A_443 : vector<16xi32>
    %swap3A_445 = arith.constant 496 : index
    %swap3A_446 = tpu.vector_load %arg8[%swap3A_445] {strides = array<i32>} : memref<512xi32, #tpu.memory_space<vmem>>, vector<16xi32>,
    %swap3A_447 = vector.shape_cast %swap3A_446 : vector<16xi32> to vector<16xi32>
    %swap3A_448 = vector.shape_cast %add3A_444 : vector<16xi32> to vector<16xi32>
    tpu.vector_store %arg8[%swap3A_445], %swap3A_448 {strides = array<i32>} : memref<512xi32, #tpu.memory_space<vmem>>, vector<16xi32>,
    %dma_start3A = arith.constant 0 : i32
    %dma_start3A_449 = arith.constant 0 : i32
    %dma_start3A_450 = arith.constant 0 : i32
    %dma_start3A_451 = tpu.memref_slice %arg9[%dma_start3A, %dma_start3A_449, %dma_start3A_450] : memref<6x64x256xf32, #tpu.memory_space<vmem>> -> memref<1x64x256xf32, #tpu.memory_space<vmem>>
    %dma_start3A_452 = tpu.memref_squeeze %dma_start3A_451 : memref<1x64x256xf32, #tpu.memory_space<vmem>> -> memref<64x256xf32, #tpu.memory_space<vmem>>
    %dma_start3A_453 = arith.constant 0 : i32
    %dma_start3A_454 = tpu.memref_slice %arg8[%dma_start3A_453] : memref<512xi32, #tpu.memory_space<vmem>> -> memref<64xi32, #tpu.memory_space<vmem>>
    %dma_start3A_455 = arith.constant 0 : i32
    %dma_start3A_456 = arith.constant 0 : i32
    %dma_start3A_457 = tpu.memref_slice %arg4[%dma_start3A_455, %dma_start3A_456] : memref<3000x256xf32, #tpu.memory_space<hbm>> -> memref<3000x256xf32, #tpu.memory_space<hbm>>
    tpu.enqueue_indirect_dma source(%dma_start3A_457 : memref<3000x256xf32, #tpu.memory_space<hbm>>) target(%dma_start3A_452 : memref<64x256xf32, #tpu.memory_space<vmem>>) offsets(%dma_start3A_454 : memref<64xi32, #tpu.memory_space<vmem>>) semaphore(%arg10 : memref<!tpu.dma_semaphore, #tpu.memory_space<semaphore_mem>>)
    %dma_start3A_458 = arith.constant 1 : i32
    %dma_start3A_459 = arith.constant 0 : i32
    %dma_start3A_460 = arith.constant 0 : i32
    %dma_start3A_461 = tpu.memref_slice %arg9[%dma_start3A_458, %dma_start3A_459, %dma_start3A_460] : memref<6x64x256xf32, #tpu.memory_space<vmem>> -> memref<1x64x256xf32, #tpu.memory_space<vmem>>
    %dma_start3A_462 = tpu.memref_squeeze %dma_start3A_461 : memref<1x64x256xf32, #tpu.memory_space<vmem>> -> memref<64x256xf32, #tpu.memory_space<vmem>>
    %dma_start3A_463 = arith.constant 64 : i32
    %dma_start3A_464 = tpu.memref_slice %arg8[%dma_start3A_463] : memref<512xi32, #tpu.memory_space<vmem>> -> memref<64xi32, #tpu.memory_space<vmem>>
    %dma_start3A_465 = arith.constant 0 : i32
    %dma_start3A_466 = arith.constant 0 : i32
    %dma_start3A_467 = tpu.memref_slice %arg4[%dma_start3A_465, %dma_start3A_466] : memref<3000x256xf32, #tpu.memory_space<hbm>> -> memref<3000x256xf32, #tpu.memory_space<hbm>>
    tpu.enqueue_indirect_dma source(%dma_start3A_467 : memref<3000x256xf32, #tpu.memory_space<hbm>>) target(%dma_start3A_462 : memref<64x256xf32, #tpu.memory_space<vmem>>) offsets(%dma_start3A_464 : memref<64xi32, #tpu.memory_space<vmem>>) semaphore(%arg11 : memref<!tpu.dma_semaphore, #tpu.memory_space<semaphore_mem>>)
    %dma_start3A_468 = arith.constant 2 : i32
    %dma_start3A_469 = arith.constant 0 : i32
    %dma_start3A_470 = arith.constant 0 : i32
    %dma_start3A_471 = tpu.memref_slice %arg9[%dma_start3A_468, %dma_start3A_469, %dma_start3A_470] : memref<6x64x256xf32, #tpu.memory_space<vmem>> -> memref<1x64x256xf32, #tpu.memory_space<vmem>>
    %dma_start3A_472 = tpu.memref_squeeze %dma_start3A_471 : memref<1x64x256xf32, #tpu.memory_space<vmem>> -> memref<64x256xf32, #tpu.memory_space<vmem>>
    %dma_start3A_473 = arith.constant 128 : i32
    %dma_start3A_474 = tpu.memref_slice %arg8[%dma_start3A_473] : memref<512xi32, #tpu.memory_space<vmem>> -> memref<64xi32, #tpu.memory_space<vmem>>
    %dma_start3A_475 = arith.constant 0 : i32
    %dma_start3A_476 = arith.constant 0 : i32
    %dma_start3A_477 = tpu.memref_slice %arg4[%dma_start3A_475, %dma_start3A_476] : memref<3000x256xf32, #tpu.memory_space<hbm>> -> memref<3000x256xf32, #tpu.memory_space<hbm>>
    tpu.enqueue_indirect_dma source(%dma_start3A_477 : memref<3000x256xf32, #tpu.memory_space<hbm>>) target(%dma_start3A_472 : memref<64x256xf32, #tpu.memory_space<vmem>>) offsets(%dma_start3A_474 : memref<64xi32, #tpu.memory_space<vmem>>) semaphore(%arg12 : memref<!tpu.dma_semaphore, #tpu.memory_space<semaphore_mem>>)
    %dma_start3A_478 = arith.constant 3 : i32
    %dma_start3A_479 = arith.constant 0 : i32
    %dma_start3A_480 = arith.constant 0 : i32
    %dma_start3A_481 = tpu.memref_slice %arg9[%dma_start3A_478, %dma_start3A_479, %dma_start3A_480] : memref<6x64x256xf32, #tpu.memory_space<vmem>> -> memref<1x64x256xf32, #tpu.memory_space<vmem>>
    %dma_start3A_482 = tpu.memref_squeeze %dma_start3A_481 : memref<1x64x256xf32, #tpu.memory_space<vmem>> -> memref<64x256xf32, #tpu.memory_space<vmem>>
    %dma_start3A_483 = arith.constant 192 : i32
    %dma_start3A_484 = tpu.memref_slice %arg8[%dma_start3A_483] : memref<512xi32, #tpu.memory_space<vmem>> -> memref<64xi32, #tpu.memory_space<vmem>>
    %dma_start3A_485 = arith.constant 0 : i32
    %dma_start3A_486 = arith.constant 0 : i32
    %dma_start3A_487 = tpu.memref_slice %arg4[%dma_start3A_485, %dma_start3A_486] : memref<3000x256xf32, #tpu.memory_space<hbm>> -> memref<3000x256xf32, #tpu.memory_space<hbm>>
    tpu.enqueue_indirect_dma source(%dma_start3A_487 : memref<3000x256xf32, #tpu.memory_space<hbm>>) target(%dma_start3A_482 : memref<64x256xf32, #tpu.memory_space<vmem>>) offsets(%dma_start3A_484 : memref<64xi32, #tpu.memory_space<vmem>>) semaphore(%arg13 : memref<!tpu.dma_semaphore, #tpu.memory_space<semaphore_mem>>)
    %dma_start3A_488 = arith.constant 4 : i32
    %dma_start3A_489 = arith.constant 0 : i32
    %dma_start3A_490 = arith.constant 0 : i32
    %dma_start3A_491 = tpu.memref_slice %arg9[%dma_start3A_488, %dma_start3A_489, %dma_start3A_490] : memref<6x64x256xf32, #tpu.memory_space<vmem>> -> memref<1x64x256xf32, #tpu.memory_space<vmem>>
    %dma_start3A_492 = tpu.memref_squeeze %dma_start3A_491 : memref<1x64x256xf32, #tpu.memory_space<vmem>> -> memref<64x256xf32, #tpu.memory_space<vmem>>
    %dma_start3A_493 = arith.constant 256 : i32
    %dma_start3A_494 = tpu.memref_slice %arg8[%dma_start3A_493] : memref<512xi32, #tpu.memory_space<vmem>> -> memref<64xi32, #tpu.memory_space<vmem>>
    %dma_start3A_495 = arith.constant 0 : i32
    %dma_start3A_496 = arith.constant 0 : i32
    %dma_start3A_497 = tpu.memref_slice %arg4[%dma_start3A_495, %dma_start3A_496] : memref<3000x256xf32, #tpu.memory_space<hbm>> -> memref<3000x256xf32, #tpu.memory_space<hbm>>
    tpu.enqueue_indirect_dma source(%dma_start3A_497 : memref<3000x256xf32, #tpu.memory_space<hbm>>) target(%dma_start3A_492 : memref<64x256xf32, #tpu.memory_space<vmem>>) offsets(%dma_start3A_494 : memref<64xi32, #tpu.memory_space<vmem>>) semaphore(%arg14 : memref<!tpu.dma_semaphore, #tpu.memory_space<semaphore_mem>>)
    %dma_start3A_498 = arith.constant 5 : i32
    %dma_start3A_499 = arith.constant 0 : i32
    %dma_start3A_500 = arith.constant 0 : i32
    %dma_start3A_501 = tpu.memref_slice %arg9[%dma_start3A_498, %dma_start3A_499, %dma_start3A_500] : memref<6x64x256xf32, #tpu.memory_space<vmem>> -> memref<1x64x256xf32, #tpu.memory_space<vmem>>
    %dma_start3A_502 = tpu.memref_squeeze %dma_start3A_501 : memref<1x64x256xf32, #tpu.memory_space<vmem>> -> memref<64x256xf32, #tpu.memory_space<vmem>>
    %dma_start3A_503 = arith.constant 320 : i32
    %dma_start3A_504 = tpu.memref_slice %arg8[%dma_start3A_503] : memref<512xi32, #tpu.memory_space<vmem>> -> memref<64xi32, #tpu.memory_space<vmem>>
    %dma_start3A_505 = arith.constant 0 : i32
    %dma_start3A_506 = arith.constant 0 : i32
    %dma_start3A_507 = tpu.memref_slice %arg4[%dma_start3A_505, %dma_start3A_506] : memref<3000x256xf32, #tpu.memory_space<hbm>> -> memref<3000x256xf32, #tpu.memory_space<hbm>>
    tpu.enqueue_indirect_dma source(%dma_start3A_507 : memref<3000x256xf32, #tpu.memory_space<hbm>>) target(%dma_start3A_502 : memref<64x256xf32, #tpu.memory_space<vmem>>) offsets(%dma_start3A_504 : memref<64xi32, #tpu.memory_space<vmem>>) semaphore(%arg15 : memref<!tpu.dma_semaphore, #tpu.memory_space<semaphore_mem>>)
    %dma_wait3A = arith.constant 0 : i32
    %dma_wait3A_508 = arith.constant 0 : i32
    %dma_wait3A_509 = arith.constant 0 : i32
    %dma_wait3A_510 = tpu.memref_slice %arg9[%dma_wait3A, %dma_wait3A_508, %dma_wait3A_509] : memref<6x64x256xf32, #tpu.memory_space<vmem>> -> memref<1x64x256xf32, #tpu.memory_space<vmem>>
    %dma_wait3A_511 = tpu.memref_squeeze %dma_wait3A_510 : memref<1x64x256xf32, #tpu.memory_space<vmem>> -> memref<64x256xf32, #tpu.memory_space<vmem>>
    %dma_wait3A_512 = arith.constant 0 : i32
    %dma_wait3A_513 = tpu.memref_slice %arg8[%dma_wait3A_512] : memref<512xi32, #tpu.memory_space<vmem>> -> memref<64xi32, #tpu.memory_space<vmem>>
    %dma_wait3A_514 = arith.constant 0 : i32
    %dma_wait3A_515 = arith.constant 0 : i32
    %dma_wait3A_516 = tpu.memref_slice %arg4[%dma_wait3A_514, %dma_wait3A_515] : memref<3000x256xf32, #tpu.memory_space<hbm>> -> memref<3000x256xf32, #tpu.memory_space<hbm>>
    tpu.wait_indirect_dma semaphore(%arg10 : memref<!tpu.dma_semaphore, #tpu.memory_space<semaphore_mem>>) src(%dma_wait3A_516 : memref<3000x256xf32, #tpu.memory_space<hbm>>) dst(%dma_wait3A_511 : memref<64x256xf32, #tpu.memory_space<vmem>>)
    %add3A_517 = arith.constant 0 : i32
    %add3A_518 = arith.addi %mul3A_2, %add3A_517 : i32
    %dma_start3A_519 = arith.constant 0 : i32
    %dma_start3A_520 = arith.constant 0 : i32
    %dma_start3A_521 = arith.constant 0 : i32
    %dma_start3A_522 = tpu.memref_slice %arg9[%dma_start3A_519, %dma_start3A_520, %dma_start3A_521] : memref<6x64x256xf32, #tpu.memory_space<vmem>> -> memref<1x64x256xf32, #tpu.memory_space<vmem>>
    %dma_start3A_523 = tpu.memref_squeeze %dma_start3A_522 : memref<1x64x256xf32, #tpu.memory_space<vmem>> -> memref<64x256xf32, #tpu.memory_space<vmem>>
    %dma_start3A_524 = arith.constant 0 : i32
    %dma_start3A_525 = tpu.memref_slice %arg5[%add3A_518, %dma_start3A_524] : memref<16384x256xf32, #tpu.memory_space<hbm>> -> memref<64x256xf32, #tpu.memory_space<hbm>>
    %dma_start3A_526 = arith.constant 0 : i32
    %dma_start3A_527 = tpu.memref_slice %arg5[%add3A_518, %dma_start3A_526] : memref<16384x256xf32, #tpu.memory_space<hbm>> -> memref<64x256xf32, #tpu.memory_space<hbm>>
    %dma_start3A_528 = arith.constant 0 : i32
    %dma_start3A_529 = arith.constant 0 : i32
    %dma_start3A_530 = tpu.memref_slice %arg9[%dma_start3A_519, %dma_start3A_528, %dma_start3A_529] : memref<6x64x256xf32, #tpu.memory_space<vmem>> -> memref<1x64x256xf32, #tpu.memory_space<vmem>>
    %dma_start3A_531 = tpu.memref_squeeze %dma_start3A_530 : memref<1x64x256xf32, #tpu.memory_space<vmem>> -> memref<64x256xf32, #tpu.memory_space<vmem>>
    tpu.enqueue_dma source(%dma_start3A_531 : memref<64x256xf32, #tpu.memory_space<vmem>>) target(%dma_start3A_527 : memref<64x256xf32, #tpu.memory_space<hbm>>) target_semaphore(%arg16 : memref<!tpu.dma_semaphore, #tpu.memory_space<semaphore_mem>>)
    %dma_wait3A_532 = arith.constant 1 : i32
    %dma_wait3A_533 = arith.constant 0 : i32
    %dma_wait3A_534 = arith.constant 0 : i32
    %dma_wait3A_535 = tpu.memref_slice %arg9[%dma_wait3A_532, %dma_wait3A_533, %dma_wait3A_534] : memref<6x64x256xf32, #tpu.memory_space<vmem>> -> memref<1x64x256xf32, #tpu.memory_space<vmem>>
    %dma_wait3A_536 = tpu.memref_squeeze %dma_wait3A_535 : memref<1x64x256xf32, #tpu.memory_space<vmem>> -> memref<64x256xf32, #tpu.memory_space<vmem>>
    %dma_wait3A_537 = arith.constant 64 : i32
    %dma_wait3A_538 = tpu.memref_slice %arg8[%dma_wait3A_537] : memref<512xi32, #tpu.memory_space<vmem>> -> memref<64xi32, #tpu.memory_space<vmem>>
    %dma_wait3A_539 = arith.constant 0 : i32
    %dma_wait3A_540 = arith.constant 0 : i32
    %dma_wait3A_541 = tpu.memref_slice %arg4[%dma_wait3A_539, %dma_wait3A_540] : memref<3000x256xf32, #tpu.memory_space<hbm>> -> memref<3000x256xf32, #tpu.memory_space<hbm>>
    tpu.wait_indirect_dma semaphore(%arg11 : memref<!tpu.dma_semaphore, #tpu.memory_space<semaphore_mem>>) src(%dma_wait3A_541 : memref<3000x256xf32, #tpu.memory_space<hbm>>) dst(%dma_wait3A_536 : memref<64x256xf32, #tpu.memory_space<vmem>>)
    %add3A_542 = arith.constant 64 : i32
    %add3A_543 = arith.addi %mul3A_2, %add3A_542 : i32
    %dma_start3A_544 = arith.constant 1 : i32
    %dma_start3A_545 = arith.constant 0 : i32
    %dma_start3A_546 = arith.constant 0 : i32
    %dma_start3A_547 = tpu.memref_slice %arg9[%dma_start3A_544, %dma_start3A_545, %dma_start3A_546] : memref<6x64x256xf32, #tpu.memory_space<vmem>> -> memref<1x64x256xf32, #tpu.memory_space<vmem>>
    %dma_start3A_548 = tpu.memref_squeeze %dma_start3A_547 : memref<1x64x256xf32, #tpu.memory_space<vmem>> -> memref<64x256xf32, #tpu.memory_space<vmem>>
    %dma_start3A_549 = arith.constant 0 : i32
    %dma_start3A_550 = tpu.memref_slice %arg5[%add3A_543, %dma_start3A_549] : memref<16384x256xf32, #tpu.memory_space<hbm>> -> memref<64x256xf32, #tpu.memory_space<hbm>>
    %dma_start3A_551 = arith.constant 0 : i32
    %dma_start3A_552 = tpu.memref_slice %arg5[%add3A_543, %dma_start3A_551] : memref<16384x256xf32, #tpu.memory_space<hbm>> -> memref<64x256xf32, #tpu.memory_space<hbm>>
    %dma_start3A_553 = arith.constant 0 : i32
    %dma_start3A_554 = arith.constant 0 : i32
    %dma_start3A_555 = tpu.memref_slice %arg9[%dma_start3A_544, %dma_start3A_553, %dma_start3A_554] : memref<6x64x256xf32, #tpu.memory_space<vmem>> -> memref<1x64x256xf32, #tpu.memory_space<vmem>>
    %dma_start3A_556 = tpu.memref_squeeze %dma_start3A_555 : memref<1x64x256xf32, #tpu.memory_space<vmem>> -> memref<64x256xf32, #tpu.memory_space<vmem>>
    tpu.enqueue_dma source(%dma_start3A_556 : memref<64x256xf32, #tpu.memory_space<vmem>>) target(%dma_start3A_552 : memref<64x256xf32, #tpu.memory_space<hbm>>) target_semaphore(%arg17 : memref<!tpu.dma_semaphore, #tpu.memory_space<semaphore_mem>>)
    %dma_wait3A_557 = arith.constant 2 : i32
    %dma_wait3A_558 = arith.constant 0 : i32
    %dma_wait3A_559 = arith.constant 0 : i32
    %dma_wait3A_560 = tpu.memref_slice %arg9[%dma_wait3A_557, %dma_wait3A_558, %dma_wait3A_559] : memref<6x64x256xf32, #tpu.memory_space<vmem>> -> memref<1x64x256xf32, #tpu.memory_space<vmem>>
    %dma_wait3A_561 = tpu.memref_squeeze %dma_wait3A_560 : memref<1x64x256xf32, #tpu.memory_space<vmem>> -> memref<64x256xf32, #tpu.memory_space<vmem>>
    %dma_wait3A_562 = arith.constant 128 : i32
    %dma_wait3A_563 = tpu.memref_slice %arg8[%dma_wait3A_562] : memref<512xi32, #tpu.memory_space<vmem>> -> memref<64xi32, #tpu.memory_space<vmem>>
    %dma_wait3A_564 = arith.constant 0 : i32
    %dma_wait3A_565 = arith.constant 0 : i32
    %dma_wait3A_566 = tpu.memref_slice %arg4[%dma_wait3A_564, %dma_wait3A_565] : memref<3000x256xf32, #tpu.memory_space<hbm>> -> memref<3000x256xf32, #tpu.memory_space<hbm>>
    tpu.wait_indirect_dma semaphore(%arg12 : memref<!tpu.dma_semaphore, #tpu.memory_space<semaphore_mem>>) src(%dma_wait3A_566 : memref<3000x256xf32, #tpu.memory_space<hbm>>) dst(%dma_wait3A_561 : memref<64x256xf32, #tpu.memory_space<vmem>>)
    %add3A_567 = arith.constant 128 : i32
    %add3A_568 = arith.addi %mul3A_2, %add3A_567 : i32
    %dma_start3A_569 = arith.constant 2 : i32
    %dma_start3A_570 = arith.constant 0 : i32
    %dma_start3A_571 = arith.constant 0 : i32
    %dma_start3A_572 = tpu.memref_slice %arg9[%dma_start3A_569, %dma_start3A_570, %dma_start3A_571] : memref<6x64x256xf32, #tpu.memory_space<vmem>> -> memref<1x64x256xf32, #tpu.memory_space<vmem>>
    %dma_start3A_573 = tpu.memref_squeeze %dma_start3A_572 : memref<1x64x256xf32, #tpu.memory_space<vmem>> -> memref<64x256xf32, #tpu.memory_space<vmem>>
    %dma_start3A_574 = arith.constant 0 : i32
    %dma_start3A_575 = tpu.memref_slice %arg5[%add3A_568, %dma_start3A_574] : memref<16384x256xf32, #tpu.memory_space<hbm>> -> memref<64x256xf32, #tpu.memory_space<hbm>>
    %dma_start3A_576 = arith.constant 0 : i32
    %dma_start3A_577 = tpu.memref_slice %arg5[%add3A_568, %dma_start3A_576] : memref<16384x256xf32, #tpu.memory_space<hbm>> -> memref<64x256xf32, #tpu.memory_space<hbm>>
    %dma_start3A_578 = arith.constant 0 : i32
    %dma_start3A_579 = arith.constant 0 : i32
    %dma_start3A_580 = tpu.memref_slice %arg9[%dma_start3A_569, %dma_start3A_578, %dma_start3A_579] : memref<6x64x256xf32, #tpu.memory_space<vmem>> -> memref<1x64x256xf32, #tpu.memory_space<vmem>>
    %dma_start3A_581 = tpu.memref_squeeze %dma_start3A_580 : memref<1x64x256xf32, #tpu.memory_space<vmem>> -> memref<64x256xf32, #tpu.memory_space<vmem>>
    tpu.enqueue_dma source(%dma_start3A_581 : memref<64x256xf32, #tpu.memory_space<vmem>>) target(%dma_start3A_577 : memref<64x256xf32, #tpu.memory_space<hbm>>) target_semaphore(%arg18 : memref<!tpu.dma_semaphore, #tpu.memory_space<semaphore_mem>>)
    %dma_wait3A_582 = arith.constant 3 : i32
    %dma_wait3A_583 = arith.constant 0 : i32
    %dma_wait3A_584 = arith.constant 0 : i32
    %dma_wait3A_585 = tpu.memref_slice %arg9[%dma_wait3A_582, %dma_wait3A_583, %dma_wait3A_584] : memref<6x64x256xf32, #tpu.memory_space<vmem>> -> memref<1x64x256xf32, #tpu.memory_space<vmem>>
    %dma_wait3A_586 = tpu.memref_squeeze %dma_wait3A_585 : memref<1x64x256xf32, #tpu.memory_space<vmem>> -> memref<64x256xf32, #tpu.memory_space<vmem>>
    %dma_wait3A_587 = arith.constant 192 : i32
    %dma_wait3A_588 = tpu.memref_slice %arg8[%dma_wait3A_587] : memref<512xi32, #tpu.memory_space<vmem>> -> memref<64xi32, #tpu.memory_space<vmem>>
    %dma_wait3A_589 = arith.constant 0 : i32
    %dma_wait3A_590 = arith.constant 0 : i32
    %dma_wait3A_591 = tpu.memref_slice %arg4[%dma_wait3A_589, %dma_wait3A_590] : memref<3000x256xf32, #tpu.memory_space<hbm>> -> memref<3000x256xf32, #tpu.memory_space<hbm>>
    tpu.wait_indirect_dma semaphore(%arg13 : memref<!tpu.dma_semaphore, #tpu.memory_space<semaphore_mem>>) src(%dma_wait3A_591 : memref<3000x256xf32, #tpu.memory_space<hbm>>) dst(%dma_wait3A_586 : memref<64x256xf32, #tpu.memory_space<vmem>>)
    %add3A_592 = arith.constant 192 : i32
    %add3A_593 = arith.addi %mul3A_2, %add3A_592 : i32
    %dma_start3A_594 = arith.constant 3 : i32
    %dma_start3A_595 = arith.constant 0 : i32
    %dma_start3A_596 = arith.constant 0 : i32
    %dma_start3A_597 = tpu.memref_slice %arg9[%dma_start3A_594, %dma_start3A_595, %dma_start3A_596] : memref<6x64x256xf32, #tpu.memory_space<vmem>> -> memref<1x64x256xf32, #tpu.memory_space<vmem>>
    %dma_start3A_598 = tpu.memref_squeeze %dma_start3A_597 : memref<1x64x256xf32, #tpu.memory_space<vmem>> -> memref<64x256xf32, #tpu.memory_space<vmem>>
    %dma_start3A_599 = arith.constant 0 : i32
    %dma_start3A_600 = tpu.memref_slice %arg5[%add3A_593, %dma_start3A_599] : memref<16384x256xf32, #tpu.memory_space<hbm>> -> memref<64x256xf32, #tpu.memory_space<hbm>>
    %dma_start3A_601 = arith.constant 0 : i32
    %dma_start3A_602 = tpu.memref_slice %arg5[%add3A_593, %dma_start3A_601] : memref<16384x256xf32, #tpu.memory_space<hbm>> -> memref<64x256xf32, #tpu.memory_space<hbm>>
    %dma_start3A_603 = arith.constant 0 : i32
    %dma_start3A_604 = arith.constant 0 : i32
    %dma_start3A_605 = tpu.memref_slice %arg9[%dma_start3A_594, %dma_start3A_603, %dma_start3A_604] : memref<6x64x256xf32, #tpu.memory_space<vmem>> -> memref<1x64x256xf32, #tpu.memory_space<vmem>>
    %dma_start3A_606 = tpu.memref_squeeze %dma_start3A_605 : memref<1x64x256xf32, #tpu.memory_space<vmem>> -> memref<64x256xf32, #tpu.memory_space<vmem>>
    tpu.enqueue_dma source(%dma_start3A_606 : memref<64x256xf32, #tpu.memory_space<vmem>>) target(%dma_start3A_602 : memref<64x256xf32, #tpu.memory_space<hbm>>) target_semaphore(%arg19 : memref<!tpu.dma_semaphore, #tpu.memory_space<semaphore_mem>>)
    %dma_wait3A_607 = arith.constant 4 : i32
    %dma_wait3A_608 = arith.constant 0 : i32
    %dma_wait3A_609 = arith.constant 0 : i32
    %dma_wait3A_610 = tpu.memref_slice %arg9[%dma_wait3A_607, %dma_wait3A_608, %dma_wait3A_609] : memref<6x64x256xf32, #tpu.memory_space<vmem>> -> memref<1x64x256xf32, #tpu.memory_space<vmem>>
    %dma_wait3A_611 = tpu.memref_squeeze %dma_wait3A_610 : memref<1x64x256xf32, #tpu.memory_space<vmem>> -> memref<64x256xf32, #tpu.memory_space<vmem>>
    %dma_wait3A_612 = arith.constant 256 : i32
    %dma_wait3A_613 = tpu.memref_slice %arg8[%dma_wait3A_612] : memref<512xi32, #tpu.memory_space<vmem>> -> memref<64xi32, #tpu.memory_space<vmem>>
    %dma_wait3A_614 = arith.constant 0 : i32
    %dma_wait3A_615 = arith.constant 0 : i32
    %dma_wait3A_616 = tpu.memref_slice %arg4[%dma_wait3A_614, %dma_wait3A_615] : memref<3000x256xf32, #tpu.memory_space<hbm>> -> memref<3000x256xf32, #tpu.memory_space<hbm>>
    tpu.wait_indirect_dma semaphore(%arg14 : memref<!tpu.dma_semaphore, #tpu.memory_space<semaphore_mem>>) src(%dma_wait3A_616 : memref<3000x256xf32, #tpu.memory_space<hbm>>) dst(%dma_wait3A_611 : memref<64x256xf32, #tpu.memory_space<vmem>>)
    %add3A_617 = arith.constant 256 : i32
    %add3A_618 = arith.addi %mul3A_2, %add3A_617 : i32
    %dma_start3A_619 = arith.constant 4 : i32
    %dma_start3A_620 = arith.constant 0 : i32
    %dma_start3A_621 = arith.constant 0 : i32
    %dma_start3A_622 = tpu.memref_slice %arg9[%dma_start3A_619, %dma_start3A_620, %dma_start3A_621] : memref<6x64x256xf32, #tpu.memory_space<vmem>> -> memref<1x64x256xf32, #tpu.memory_space<vmem>>
    %dma_start3A_623 = tpu.memref_squeeze %dma_start3A_622 : memref<1x64x256xf32, #tpu.memory_space<vmem>> -> memref<64x256xf32, #tpu.memory_space<vmem>>
    %dma_start3A_624 = arith.constant 0 : i32
    %dma_start3A_625 = tpu.memref_slice %arg5[%add3A_618, %dma_start3A_624] : memref<16384x256xf32, #tpu.memory_space<hbm>> -> memref<64x256xf32, #tpu.memory_space<hbm>>
    %dma_start3A_626 = arith.constant 0 : i32
    %dma_start3A_627 = tpu.memref_slice %arg5[%add3A_618, %dma_start3A_626] : memref<16384x256xf32, #tpu.memory_space<hbm>> -> memref<64x256xf32, #tpu.memory_space<hbm>>
    %dma_start3A_628 = arith.constant 0 : i32
    %dma_start3A_629 = arith.constant 0 : i32
    %dma_start3A_630 = tpu.memref_slice %arg9[%dma_start3A_619, %dma_start3A_628, %dma_start3A_629] : memref<6x64x256xf32, #tpu.memory_space<vmem>> -> memref<1x64x256xf32, #tpu.memory_space<vmem>>
    %dma_start3A_631 = tpu.memref_squeeze %dma_start3A_630 : memref<1x64x256xf32, #tpu.memory_space<vmem>> -> memref<64x256xf32, #tpu.memory_space<vmem>>
    tpu.enqueue_dma source(%dma_start3A_631 : memref<64x256xf32, #tpu.memory_space<vmem>>) target(%dma_start3A_627 : memref<64x256xf32, #tpu.memory_space<hbm>>) target_semaphore(%arg20 : memref<!tpu.dma_semaphore, #tpu.memory_space<semaphore_mem>>)
    %dma_wait3A_632 = arith.constant 5 : i32
    %dma_wait3A_633 = arith.constant 0 : i32
    %dma_wait3A_634 = arith.constant 0 : i32
    %dma_wait3A_635 = tpu.memref_slice %arg9[%dma_wait3A_632, %dma_wait3A_633, %dma_wait3A_634] : memref<6x64x256xf32, #tpu.memory_space<vmem>> -> memref<1x64x256xf32, #tpu.memory_space<vmem>>
    %dma_wait3A_636 = tpu.memref_squeeze %dma_wait3A_635 : memref<1x64x256xf32, #tpu.memory_space<vmem>> -> memref<64x256xf32, #tpu.memory_space<vmem>>
    %dma_wait3A_637 = arith.constant 320 : i32
    %dma_wait3A_638 = tpu.memref_slice %arg8[%dma_wait3A_637] : memref<512xi32, #tpu.memory_space<vmem>> -> memref<64xi32, #tpu.memory_space<vmem>>
    %dma_wait3A_639 = arith.constant 0 : i32
    %dma_wait3A_640 = arith.constant 0 : i32
    %dma_wait3A_641 = tpu.memref_slice %arg4[%dma_wait3A_639, %dma_wait3A_640] : memref<3000x256xf32, #tpu.memory_space<hbm>> -> memref<3000x256xf32, #tpu.memory_space<hbm>>
    tpu.wait_indirect_dma semaphore(%arg15 : memref<!tpu.dma_semaphore, #tpu.memory_space<semaphore_mem>>) src(%dma_wait3A_641 : memref<3000x256xf32, #tpu.memory_space<hbm>>) dst(%dma_wait3A_636 : memref<64x256xf32, #tpu.memory_space<vmem>>)
    %add3A_642 = arith.constant 320 : i32
    %add3A_643 = arith.addi %mul3A_2, %add3A_642 : i32
    %dma_start3A_644 = arith.constant 5 : i32
    %dma_start3A_645 = arith.constant 0 : i32
    %dma_start3A_646 = arith.constant 0 : i32
    %dma_start3A_647 = tpu.memref_slice %arg9[%dma_start3A_644, %dma_start3A_645, %dma_start3A_646] : memref<6x64x256xf32, #tpu.memory_space<vmem>> -> memref<1x64x256xf32, #tpu.memory_space<vmem>>
    %dma_start3A_648 = tpu.memref_squeeze %dma_start3A_647 : memref<1x64x256xf32, #tpu.memory_space<vmem>> -> memref<64x256xf32, #tpu.memory_space<vmem>>
    %dma_start3A_649 = arith.constant 0 : i32
    %dma_start3A_650 = tpu.memref_slice %arg5[%add3A_643, %dma_start3A_649] : memref<16384x256xf32, #tpu.memory_space<hbm>> -> memref<64x256xf32, #tpu.memory_space<hbm>>
    %dma_start3A_651 = arith.constant 0 : i32
    %dma_start3A_652 = tpu.memref_slice %arg5[%add3A_643, %dma_start3A_651] : memref<16384x256xf32, #tpu.memory_space<hbm>> -> memref<64x256xf32, #tpu.memory_space<hbm>>
    %dma_start3A_653 = arith.constant 0 : i32
    %dma_start3A_654 = arith.constant 0 : i32
    %dma_start3A_655 = tpu.memref_slice %arg9[%dma_start3A_644, %dma_start3A_653, %dma_start3A_654] : memref<6x64x256xf32, #tpu.memory_space<vmem>> -> memref<1x64x256xf32, #tpu.memory_space<vmem>>
    %dma_start3A_656 = tpu.memref_squeeze %dma_start3A_655 : memref<1x64x256xf32, #tpu.memory_space<vmem>> -> memref<64x256xf32, #tpu.memory_space<vmem>>
    tpu.enqueue_dma source(%dma_start3A_656 : memref<64x256xf32, #tpu.memory_space<vmem>>) target(%dma_start3A_652 : memref<64x256xf32, #tpu.memory_space<hbm>>) target_semaphore(%arg21 : memref<!tpu.dma_semaphore, #tpu.memory_space<semaphore_mem>>)
    %dma_wait3A_657 = arith.constant 0 : i32
    %dma_wait3A_658 = arith.constant 0 : i32
    %dma_wait3A_659 = arith.constant 0 : i32
    %dma_wait3A_660 = tpu.memref_slice %arg9[%dma_wait3A_657, %dma_wait3A_658, %dma_wait3A_659] : memref<6x64x256xf32, #tpu.memory_space<vmem>> -> memref<1x64x256xf32, #tpu.memory_space<vmem>>
    %dma_wait3A_661 = tpu.memref_squeeze %dma_wait3A_660 : memref<1x64x256xf32, #tpu.memory_space<vmem>> -> memref<64x256xf32, #tpu.memory_space<vmem>>
    %dma_wait3A_662 = arith.constant 0 : i32
    %dma_wait3A_663 = tpu.memref_slice %arg5[%add3A_518, %dma_wait3A_662] : memref<16384x256xf32, #tpu.memory_space<hbm>> -> memref<64x256xf32, #tpu.memory_space<hbm>>
    %dma_wait3A_664 = arith.constant 0 : i32
    %dma_wait3A_665 = tpu.memref_slice %arg5[%add3A_518, %dma_wait3A_664] : memref<16384x256xf32, #tpu.memory_space<hbm>> -> memref<64x256xf32, #tpu.memory_space<hbm>>
    %dma_wait3A_666 = arith.constant 0 : i32
    %dma_wait3A_667 = arith.constant 0 : i32
    %dma_wait3A_668 = tpu.memref_slice %arg9[%dma_wait3A_657, %dma_wait3A_666, %dma_wait3A_667] : memref<6x64x256xf32, #tpu.memory_space<vmem>> -> memref<1x64x256xf32, #tpu.memory_space<vmem>>
    %dma_wait3A_669 = tpu.memref_squeeze %dma_wait3A_668 : memref<1x64x256xf32, #tpu.memory_space<vmem>> -> memref<64x256xf32, #tpu.memory_space<vmem>>
    tpu.wait_dma2 semaphore(%arg16 : memref<!tpu.dma_semaphore, #tpu.memory_space<semaphore_mem>>) src(%dma_wait3A_669 : memref<64x256xf32, #tpu.memory_space<vmem>>) dst(%dma_wait3A_665 : memref<64x256xf32, #tpu.memory_space<hbm>>)
    %dma_start3A_670 = arith.constant 0 : i32
    %dma_start3A_671 = arith.constant 0 : i32
    %dma_start3A_672 = arith.constant 0 : i32
    %dma_start3A_673 = tpu.memref_slice %arg9[%dma_start3A_670, %dma_start3A_671, %dma_start3A_672] : memref<6x64x256xf32, #tpu.memory_space<vmem>> -> memref<1x64x256xf32, #tpu.memory_space<vmem>>
    %dma_start3A_674 = tpu.memref_squeeze %dma_start3A_673 : memref<1x64x256xf32, #tpu.memory_space<vmem>> -> memref<64x256xf32, #tpu.memory_space<vmem>>
    %dma_start3A_675 = arith.constant 384 : i32
    %dma_start3A_676 = tpu.memref_slice %arg8[%dma_start3A_675] : memref<512xi32, #tpu.memory_space<vmem>> -> memref<64xi32, #tpu.memory_space<vmem>>
    %dma_start3A_677 = arith.constant 0 : i32
    %dma_start3A_678 = arith.constant 0 : i32
    %dma_start3A_679 = tpu.memref_slice %arg4[%dma_start3A_677, %dma_start3A_678] : memref<3000x256xf32, #tpu.memory_space<hbm>> -> memref<3000x256xf32, #tpu.memory_space<hbm>>
    tpu.enqueue_indirect_dma source(%dma_start3A_679 : memref<3000x256xf32, #tpu.memory_space<hbm>>) target(%dma_start3A_674 : memref<64x256xf32, #tpu.memory_space<vmem>>) offsets(%dma_start3A_676 : memref<64xi32, #tpu.memory_space<vmem>>) semaphore(%arg10 : memref<!tpu.dma_semaphore, #tpu.memory_space<semaphore_mem>>)
    %dma_wait3A_680 = arith.constant 0 : i32
    %dma_wait3A_681 = arith.constant 0 : i32
    %dma_wait3A_682 = arith.constant 0 : i32
    %dma_wait3A_683 = tpu.memref_slice %arg9[%dma_wait3A_680, %dma_wait3A_681, %dma_wait3A_682] : memref<6x64x256xf32, #tpu.memory_space<vmem>> -> memref<1x64x256xf32, #tpu.memory_space<vmem>>
    %dma_wait3A_684 = tpu.memref_squeeze %dma_wait3A_683 : memref<1x64x256xf32, #tpu.memory_space<vmem>> -> memref<64x256xf32, #tpu.memory_space<vmem>>
    %dma_wait3A_685 = arith.constant 384 : i32
    %dma_wait3A_686 = tpu.memref_slice %arg8[%dma_wait3A_685] : memref<512xi32, #tpu.memory_space<vmem>> -> memref<64xi32, #tpu.memory_space<vmem>>
    %dma_wait3A_687 = arith.constant 0 : i32
    %dma_wait3A_688 = arith.constant 0 : i32
    %dma_wait3A_689 = tpu.memref_slice %arg4[%dma_wait3A_687, %dma_wait3A_688] : memref<3000x256xf32, #tpu.memory_space<hbm>> -> memref<3000x256xf32, #tpu.memory_space<hbm>>
    tpu.wait_indirect_dma semaphore(%arg10 : memref<!tpu.dma_semaphore, #tpu.memory_space<semaphore_mem>>) src(%dma_wait3A_689 : memref<3000x256xf32, #tpu.memory_space<hbm>>) dst(%dma_wait3A_684 : memref<64x256xf32, #tpu.memory_space<vmem>>)
    %add3A_690 = arith.constant 384 : i32
    %add3A_691 = arith.addi %mul3A_2, %add3A_690 : i32
    %dma_start3A_692 = arith.constant 0 : i32
    %dma_start3A_693 = arith.constant 0 : i32
    %dma_start3A_694 = arith.constant 0 : i32
    %dma_start3A_695 = tpu.memref_slice %arg9[%dma_start3A_692, %dma_start3A_693, %dma_start3A_694] : memref<6x64x256xf32, #tpu.memory_space<vmem>> -> memref<1x64x256xf32, #tpu.memory_space<vmem>>
    %dma_start3A_696 = tpu.memref_squeeze %dma_start3A_695 : memref<1x64x256xf32, #tpu.memory_space<vmem>> -> memref<64x256xf32, #tpu.memory_space<vmem>>
    %dma_start3A_697 = arith.constant 0 : i32
    %dma_start3A_698 = tpu.memref_slice %arg5[%add3A_691, %dma_start3A_697] : memref<16384x256xf32, #tpu.memory_space<hbm>> -> memref<64x256xf32, #tpu.memory_space<hbm>>
    %dma_start3A_699 = arith.constant 0 : i32
    %dma_start3A_700 = tpu.memref_slice %arg5[%add3A_691, %dma_start3A_699] : memref<16384x256xf32, #tpu.memory_space<hbm>> -> memref<64x256xf32, #tpu.memory_space<hbm>>
    %dma_start3A_701 = arith.constant 0 : i32
    %dma_start3A_702 = arith.constant 0 : i32
    %dma_start3A_703 = tpu.memref_slice %arg9[%dma_start3A_692, %dma_start3A_701, %dma_start3A_702] : memref<6x64x256xf32, #tpu.memory_space<vmem>> -> memref<1x64x256xf32, #tpu.memory_space<vmem>>
    %dma_start3A_704 = tpu.memref_squeeze %dma_start3A_703 : memref<1x64x256xf32, #tpu.memory_space<vmem>> -> memref<64x256xf32, #tpu.memory_space<vmem>>
    tpu.enqueue_dma source(%dma_start3A_704 : memref<64x256xf32, #tpu.memory_space<vmem>>) target(%dma_start3A_700 : memref<64x256xf32, #tpu.memory_space<hbm>>) target_semaphore(%arg16 : memref<!tpu.dma_semaphore, #tpu.memory_space<semaphore_mem>>)
    %dma_wait3A_705 = arith.constant 1 : i32
    %dma_wait3A_706 = arith.constant 0 : i32
    %dma_wait3A_707 = arith.constant 0 : i32
    %dma_wait3A_708 = tpu.memref_slice %arg9[%dma_wait3A_705, %dma_wait3A_706, %dma_wait3A_707] : memref<6x64x256xf32, #tpu.memory_space<vmem>> -> memref<1x64x256xf32, #tpu.memory_space<vmem>>
    %dma_wait3A_709 = tpu.memref_squeeze %dma_wait3A_708 : memref<1x64x256xf32, #tpu.memory_space<vmem>> -> memref<64x256xf32, #tpu.memory_space<vmem>>
    %dma_wait3A_710 = arith.constant 0 : i32
    %dma_wait3A_711 = tpu.memref_slice %arg5[%add3A_543, %dma_wait3A_710] : memref<16384x256xf32, #tpu.memory_space<hbm>> -> memref<64x256xf32, #tpu.memory_space<hbm>>
    %dma_wait3A_712 = arith.constant 0 : i32
    %dma_wait3A_713 = tpu.memref_slice %arg5[%add3A_543, %dma_wait3A_712] : memref<16384x256xf32, #tpu.memory_space<hbm>> -> memref<64x256xf32, #tpu.memory_space<hbm>>
    %dma_wait3A_714 = arith.constant 0 : i32
    %dma_wait3A_715 = arith.constant 0 : i32
    %dma_wait3A_716 = tpu.memref_slice %arg9[%dma_wait3A_705, %dma_wait3A_714, %dma_wait3A_715] : memref<6x64x256xf32, #tpu.memory_space<vmem>> -> memref<1x64x256xf32, #tpu.memory_space<vmem>>
    %dma_wait3A_717 = tpu.memref_squeeze %dma_wait3A_716 : memref<1x64x256xf32, #tpu.memory_space<vmem>> -> memref<64x256xf32, #tpu.memory_space<vmem>>
    tpu.wait_dma2 semaphore(%arg17 : memref<!tpu.dma_semaphore, #tpu.memory_space<semaphore_mem>>) src(%dma_wait3A_717 : memref<64x256xf32, #tpu.memory_space<vmem>>) dst(%dma_wait3A_713 : memref<64x256xf32, #tpu.memory_space<hbm>>)
    %dma_start3A_718 = arith.constant 1 : i32
    %dma_start3A_719 = arith.constant 0 : i32
    %dma_start3A_720 = arith.constant 0 : i32
    %dma_start3A_721 = tpu.memref_slice %arg9[%dma_start3A_718, %dma_start3A_719, %dma_start3A_720] : memref<6x64x256xf32, #tpu.memory_space<vmem>> -> memref<1x64x256xf32, #tpu.memory_space<vmem>>
    %dma_start3A_722 = tpu.memref_squeeze %dma_start3A_721 : memref<1x64x256xf32, #tpu.memory_space<vmem>> -> memref<64x256xf32, #tpu.memory_space<vmem>>
    %dma_start3A_723 = arith.constant 448 : i32
    %dma_start3A_724 = tpu.memref_slice %arg8[%dma_start3A_723] : memref<512xi32, #tpu.memory_space<vmem>> -> memref<64xi32, #tpu.memory_space<vmem>>
    %dma_start3A_725 = arith.constant 0 : i32
    %dma_start3A_726 = arith.constant 0 : i32
    %dma_start3A_727 = tpu.memref_slice %arg4[%dma_start3A_725, %dma_start3A_726] : memref<3000x256xf32, #tpu.memory_space<hbm>> -> memref<3000x256xf32, #tpu.memory_space<hbm>>
    tpu.enqueue_indirect_dma source(%dma_start3A_727 : memref<3000x256xf32, #tpu.memory_space<hbm>>) target(%dma_start3A_722 : memref<64x256xf32, #tpu.memory_space<vmem>>) offsets(%dma_start3A_724 : memref<64xi32, #tpu.memory_space<vmem>>) semaphore(%arg11 : memref<!tpu.dma_semaphore, #tpu.memory_space<semaphore_mem>>)
    %dma_wait3A_728 = arith.constant 1 : i32
    %dma_wait3A_729 = arith.constant 0 : i32
    %dma_wait3A_730 = arith.constant 0 : i32
    %dma_wait3A_731 = tpu.memref_slice %arg9[%dma_wait3A_728, %dma_wait3A_729, %dma_wait3A_730] : memref<6x64x256xf32, #tpu.memory_space<vmem>> -> memref<1x64x256xf32, #tpu.memory_space<vmem>>
    %dma_wait3A_732 = tpu.memref_squeeze %dma_wait3A_731 : memref<1x64x256xf32, #tpu.memory_space<vmem>> -> memref<64x256xf32, #tpu.memory_space<vmem>>
    %dma_wait3A_733 = arith.constant 448 : i32
    %dma_wait3A_734 = tpu.memref_slice %arg8[%dma_wait3A_733] : memref<512xi32, #tpu.memory_space<vmem>> -> memref<64xi32, #tpu.memory_space<vmem>>
    %dma_wait3A_735 = arith.constant 0 : i32
    %dma_wait3A_736 = arith.constant 0 : i32
    %dma_wait3A_737 = tpu.memref_slice %arg4[%dma_wait3A_735, %dma_wait3A_736] : memref<3000x256xf32, #tpu.memory_space<hbm>> -> memref<3000x256xf32, #tpu.memory_space<hbm>>
    tpu.wait_indirect_dma semaphore(%arg11 : memref<!tpu.dma_semaphore, #tpu.memory_space<semaphore_mem>>) src(%dma_wait3A_737 : memref<3000x256xf32, #tpu.memory_space<hbm>>) dst(%dma_wait3A_732 : memref<64x256xf32, #tpu.memory_space<vmem>>)
    %add3A_738 = arith.constant 448 : i32
    %add3A_739 = arith.addi %mul3A_2, %add3A_738 : i32
    %dma_start3A_740 = arith.constant 1 : i32
    %dma_start3A_741 = arith.constant 0 : i32
    %dma_start3A_742 = arith.constant 0 : i32
    %dma_start3A_743 = tpu.memref_slice %arg9[%dma_start3A_740, %dma_start3A_741, %dma_start3A_742] : memref<6x64x256xf32, #tpu.memory_space<vmem>> -> memref<1x64x256xf32, #tpu.memory_space<vmem>>
    %dma_start3A_744 = tpu.memref_squeeze %dma_start3A_743 : memref<1x64x256xf32, #tpu.memory_space<vmem>> -> memref<64x256xf32, #tpu.memory_space<vmem>>
    %dma_start3A_745 = arith.constant 0 : i32
    %dma_start3A_746 = tpu.memref_slice %arg5[%add3A_739, %dma_start3A_745] : memref<16384x256xf32, #tpu.memory_space<hbm>> -> memref<64x256xf32, #tpu.memory_space<hbm>>
    %dma_start3A_747 = arith.constant 0 : i32
    %dma_start3A_748 = tpu.memref_slice %arg5[%add3A_739, %dma_start3A_747] : memref<16384x256xf32, #tpu.memory_space<hbm>> -> memref<64x256xf32, #tpu.memory_space<hbm>>
    %dma_start3A_749 = arith.constant 0 : i32
    %dma_start3A_750 = arith.constant 0 : i32
    %dma_start3A_751 = tpu.memref_slice %arg9[%dma_start3A_740, %dma_start3A_749, %dma_start3A_750] : memref<6x64x256xf32, #tpu.memory_space<vmem>> -> memref<1x64x256xf32, #tpu.memory_space<vmem>>
    %dma_start3A_752 = tpu.memref_squeeze %dma_start3A_751 : memref<1x64x256xf32, #tpu.memory_space<vmem>> -> memref<64x256xf32, #tpu.memory_space<vmem>>
    tpu.enqueue_dma source(%dma_start3A_752 : memref<64x256xf32, #tpu.memory_space<vmem>>) target(%dma_start3A_748 : memref<64x256xf32, #tpu.memory_space<hbm>>) target_semaphore(%arg17 : memref<!tpu.dma_semaphore, #tpu.memory_space<semaphore_mem>>)
    %dma_wait3A_753 = arith.constant 2 : i32
    %dma_wait3A_754 = arith.constant 0 : i32
    %dma_wait3A_755 = arith.constant 0 : i32
    %dma_wait3A_756 = tpu.memref_slice %arg9[%dma_wait3A_753, %dma_wait3A_754, %dma_wait3A_755] : memref<6x64x256xf32, #tpu.memory_space<vmem>> -> memref<1x64x256xf32, #tpu.memory_space<vmem>>
    %dma_wait3A_757 = tpu.memref_squeeze %dma_wait3A_756 : memref<1x64x256xf32, #tpu.memory_space<vmem>> -> memref<64x256xf32, #tpu.memory_space<vmem>>
    %dma_wait3A_758 = arith.constant 0 : i32
    %dma_wait3A_759 = tpu.memref_slice %arg5[%add3A_568, %dma_wait3A_758] : memref<16384x256xf32, #tpu.memory_space<hbm>> -> memref<64x256xf32, #tpu.memory_space<hbm>>
    %dma_wait3A_760 = arith.constant 0 : i32
    %dma_wait3A_761 = tpu.memref_slice %arg5[%add3A_568, %dma_wait3A_760] : memref<16384x256xf32, #tpu.memory_space<hbm>> -> memref<64x256xf32, #tpu.memory_space<hbm>>
    %dma_wait3A_762 = arith.constant 0 : i32
    %dma_wait3A_763 = arith.constant 0 : i32
    %dma_wait3A_764 = tpu.memref_slice %arg9[%dma_wait3A_753, %dma_wait3A_762, %dma_wait3A_763] : memref<6x64x256xf32, #tpu.memory_space<vmem>> -> memref<1x64x256xf32, #tpu.memory_space<vmem>>
    %dma_wait3A_765 = tpu.memref_squeeze %dma_wait3A_764 : memref<1x64x256xf32, #tpu.memory_space<vmem>> -> memref<64x256xf32, #tpu.memory_space<vmem>>
    tpu.wait_dma2 semaphore(%arg18 : memref<!tpu.dma_semaphore, #tpu.memory_space<semaphore_mem>>) src(%dma_wait3A_765 : memref<64x256xf32, #tpu.memory_space<vmem>>) dst(%dma_wait3A_761 : memref<64x256xf32, #tpu.memory_space<hbm>>)
    %dma_wait3A_766 = arith.constant 3 : i32
    %dma_wait3A_767 = arith.constant 0 : i32
    %dma_wait3A_768 = arith.constant 0 : i32
    %dma_wait3A_769 = tpu.memref_slice %arg9[%dma_wait3A_766, %dma_wait3A_767, %dma_wait3A_768] : memref<6x64x256xf32, #tpu.memory_space<vmem>> -> memref<1x64x256xf32, #tpu.memory_space<vmem>>
    %dma_wait3A_770 = tpu.memref_squeeze %dma_wait3A_769 : memref<1x64x256xf32, #tpu.memory_space<vmem>> -> memref<64x256xf32, #tpu.memory_space<vmem>>
    %dma_wait3A_771 = arith.constant 0 : i32
    %dma_wait3A_772 = tpu.memref_slice %arg5[%add3A_593, %dma_wait3A_771] : memref<16384x256xf32, #tpu.memory_space<hbm>> -> memref<64x256xf32, #tpu.memory_space<hbm>>
    %dma_wait3A_773 = arith.constant 0 : i32
    %dma_wait3A_774 = tpu.memref_slice %arg5[%add3A_593, %dma_wait3A_773] : memref<16384x256xf32, #tpu.memory_space<hbm>> -> memref<64x256xf32, #tpu.memory_space<hbm>>
    %dma_wait3A_775 = arith.constant 0 : i32
    %dma_wait3A_776 = arith.constant 0 : i32
    %dma_wait3A_777 = tpu.memref_slice %arg9[%dma_wait3A_766, %dma_wait3A_775, %dma_wait3A_776] : memref<6x64x256xf32, #tpu.memory_space<vmem>> -> memref<1x64x256xf32, #tpu.memory_space<vmem>>
    %dma_wait3A_778 = tpu.memref_squeeze %dma_wait3A_777 : memref<1x64x256xf32, #tpu.memory_space<vmem>> -> memref<64x256xf32, #tpu.memory_space<vmem>>
    tpu.wait_dma2 semaphore(%arg19 : memref<!tpu.dma_semaphore, #tpu.memory_space<semaphore_mem>>) src(%dma_wait3A_778 : memref<64x256xf32, #tpu.memory_space<vmem>>) dst(%dma_wait3A_774 : memref<64x256xf32, #tpu.memory_space<hbm>>)
    %dma_wait3A_779 = arith.constant 4 : i32
    %dma_wait3A_780 = arith.constant 0 : i32
    %dma_wait3A_781 = arith.constant 0 : i32
    %dma_wait3A_782 = tpu.memref_slice %arg9[%dma_wait3A_779, %dma_wait3A_780, %dma_wait3A_781] : memref<6x64x256xf32, #tpu.memory_space<vmem>> -> memref<1x64x256xf32, #tpu.memory_space<vmem>>
    %dma_wait3A_783 = tpu.memref_squeeze %dma_wait3A_782 : memref<1x64x256xf32, #tpu.memory_space<vmem>> -> memref<64x256xf32, #tpu.memory_space<vmem>>
    %dma_wait3A_784 = arith.constant 0 : i32
    %dma_wait3A_785 = tpu.memref_slice %arg5[%add3A_618, %dma_wait3A_784] : memref<16384x256xf32, #tpu.memory_space<hbm>> -> memref<64x256xf32, #tpu.memory_space<hbm>>
    %dma_wait3A_786 = arith.constant 0 : i32
    %dma_wait3A_787 = tpu.memref_slice %arg5[%add3A_618, %dma_wait3A_786] : memref<16384x256xf32, #tpu.memory_space<hbm>> -> memref<64x256xf32, #tpu.memory_space<hbm>>
    %dma_wait3A_788 = arith.constant 0 : i32
    %dma_wait3A_789 = arith.constant 0 : i32
    %dma_wait3A_790 = tpu.memref_slice %arg9[%dma_wait3A_779, %dma_wait3A_788, %dma_wait3A_789] : memref<6x64x256xf32, #tpu.memory_space<vmem>> -> memref<1x64x256xf32, #tpu.memory_space<vmem>>
    %dma_wait3A_791 = tpu.memref_squeeze %dma_wait3A_790 : memref<1x64x256xf32, #tpu.memory_space<vmem>> -> memref<64x256xf32, #tpu.memory_space<vmem>>
    tpu.wait_dma2 semaphore(%arg20 : memref<!tpu.dma_semaphore, #tpu.memory_space<semaphore_mem>>) src(%dma_wait3A_791 : memref<64x256xf32, #tpu.memory_space<vmem>>) dst(%dma_wait3A_787 : memref<64x256xf32, #tpu.memory_space<hbm>>)
    %dma_wait3A_792 = arith.constant 5 : i32
    %dma_wait3A_793 = arith.constant 0 : i32
    %dma_wait3A_794 = arith.constant 0 : i32
    %dma_wait3A_795 = tpu.memref_slice %arg9[%dma_wait3A_792, %dma_wait3A_793, %dma_wait3A_794] : memref<6x64x256xf32, #tpu.memory_space<vmem>> -> memref<1x64x256xf32, #tpu.memory_space<vmem>>
    %dma_wait3A_796 = tpu.memref_squeeze %dma_wait3A_795 : memref<1x64x256xf32, #tpu.memory_space<vmem>> -> memref<64x256xf32, #tpu.memory_space<vmem>>
    %dma_wait3A_797 = arith.constant 0 : i32
    %dma_wait3A_798 = tpu.memref_slice %arg5[%add3A_643, %dma_wait3A_797] : memref<16384x256xf32, #tpu.memory_space<hbm>> -> memref<64x256xf32, #tpu.memory_space<hbm>>
    %dma_wait3A_799 = arith.constant 0 : i32
    %dma_wait3A_800 = tpu.memref_slice %arg5[%add3A_643, %dma_wait3A_799] : memref<16384x256xf32, #tpu.memory_space<hbm>> -> memref<64x256xf32, #tpu.memory_space<hbm>>
    %dma_wait3A_801 = arith.constant 0 : i32
    %dma_wait3A_802 = arith.constant 0 : i32
    %dma_wait3A_803 = tpu.memref_slice %arg9[%dma_wait3A_792, %dma_wait3A_801, %dma_wait3A_802] : memref<6x64x256xf32, #tpu.memory_space<vmem>> -> memref<1x64x256xf32, #tpu.memory_space<vmem>>
    %dma_wait3A_804 = tpu.memref_squeeze %dma_wait3A_803 : memref<1x64x256xf32, #tpu.memory_space<vmem>> -> memref<64x256xf32, #tpu.memory_space<vmem>>
    tpu.wait_dma2 semaphore(%arg21 : memref<!tpu.dma_semaphore, #tpu.memory_space<semaphore_mem>>) src(%dma_wait3A_804 : memref<64x256xf32, #tpu.memory_space<vmem>>) dst(%dma_wait3A_800 : memref<64x256xf32, #tpu.memory_space<hbm>>)
    %dma_wait3A_805 = arith.constant 0 : i32
    %dma_wait3A_806 = arith.constant 0 : i32
    %dma_wait3A_807 = arith.constant 0 : i32
    %dma_wait3A_808 = tpu.memref_slice %arg9[%dma_wait3A_805, %dma_wait3A_806, %dma_wait3A_807] : memref<6x64x256xf32, #tpu.memory_space<vmem>> -> memref<1x64x256xf32, #tpu.memory_space<vmem>>
    %dma_wait3A_809 = tpu.memref_squeeze %dma_wait3A_808 : memref<1x64x256xf32, #tpu.memory_space<vmem>> -> memref<64x256xf32, #tpu.memory_space<vmem>>
    %dma_wait3A_810 = arith.constant 0 : i32
    %dma_wait3A_811 = tpu.memref_slice %arg5[%add3A_691, %dma_wait3A_810] : memref<16384x256xf32, #tpu.memory_space<hbm>> -> memref<64x256xf32, #tpu.memory_space<hbm>>
    %dma_wait3A_812 = arith.constant 0 : i32
    %dma_wait3A_813 = tpu.memref_slice %arg5[%add3A_691, %dma_wait3A_812] : memref<16384x256xf32, #tpu.memory_space<hbm>> -> memref<64x256xf32, #tpu.memory_space<hbm>>
    %dma_wait3A_814 = arith.constant 0 : i32
    %dma_wait3A_815 = arith.constant 0 : i32
    %dma_wait3A_816 = tpu.memref_slice %arg9[%dma_wait3A_805, %dma_wait3A_814, %dma_wait3A_815] : memref<6x64x256xf32, #tpu.memory_space<vmem>> -> memref<1x64x256xf32, #tpu.memory_space<vmem>>
    %dma_wait3A_817 = tpu.memref_squeeze %dma_wait3A_816 : memref<1x64x256xf32, #tpu.memory_space<vmem>> -> memref<64x256xf32, #tpu.memory_space<vmem>>
    tpu.wait_dma2 semaphore(%arg16 : memref<!tpu.dma_semaphore, #tpu.memory_space<semaphore_mem>>) src(%dma_wait3A_817 : memref<64x256xf32, #tpu.memory_space<vmem>>) dst(%dma_wait3A_813 : memref<64x256xf32, #tpu.memory_space<hbm>>)
    %dma_wait3A_818 = arith.constant 1 : i32
    %dma_wait3A_819 = arith.constant 0 : i32
    %dma_wait3A_820 = arith.constant 0 : i32
    %dma_wait3A_821 = tpu.memref_slice %arg9[%dma_wait3A_818, %dma_wait3A_819, %dma_wait3A_820] : memref<6x64x256xf32, #tpu.memory_space<vmem>> -> memref<1x64x256xf32, #tpu.memory_space<vmem>>
    %dma_wait3A_822 = tpu.memref_squeeze %dma_wait3A_821 : memref<1x64x256xf32, #tpu.memory_space<vmem>> -> memref<64x256xf32, #tpu.memory_space<vmem>>
    %dma_wait3A_823 = arith.constant 0 : i32
    %dma_wait3A_824 = tpu.memref_slice %arg5[%add3A_739, %dma_wait3A_823] : memref<16384x256xf32, #tpu.memory_space<hbm>> -> memref<64x256xf32, #tpu.memory_space<hbm>>
    %dma_wait3A_825 = arith.constant 0 : i32
    %dma_wait3A_826 = tpu.memref_slice %arg5[%add3A_739, %dma_wait3A_825] : memref<16384x256xf32, #tpu.memory_space<hbm>> -> memref<64x256xf32, #tpu.memory_space<hbm>>
    %dma_wait3A_827 = arith.constant 0 : i32
    %dma_wait3A_828 = arith.constant 0 : i32
    %dma_wait3A_829 = tpu.memref_slice %arg9[%dma_wait3A_818, %dma_wait3A_827, %dma_wait3A_828] : memref<6x64x256xf32, #tpu.memory_space<vmem>> -> memref<1x64x256xf32, #tpu.memory_space<vmem>>
    %dma_wait3A_830 = tpu.memref_squeeze %dma_wait3A_829 : memref<1x64x256xf32, #tpu.memory_space<vmem>> -> memref<64x256xf32, #tpu.memory_space<vmem>>
    tpu.wait_dma2 semaphore(%arg17 : memref<!tpu.dma_semaphore, #tpu.memory_space<semaphore_mem>>) src(%dma_wait3A_830 : memref<64x256xf32, #tpu.memory_space<vmem>>) dst(%dma_wait3A_826 : memref<64x256xf32, #tpu.memory_space<hbm>>)
    return
  }
}

</mosaic_0001>

<sc_bundles>
// kernel: kernel.3.cloned.1.call-start
scs
__scs_entry_jumppad:
0x0: {  	(pc) =	sbr.rel $0x88, $3  }
0x1: {  	(tag) =	ssettag $0x0;
	lr =	simm.s32 $0x1  }
0x2: {  	[smem:$0x3F9D] =	sst lr;
	_ =	strace $0xD0000000  }
0x3: {  	_ = 	snop  }
0x4: {  	_ = 	snop  }
0x5: {  	_ = 	snop  }
0x6: {  	_ = 	snop  }
0x7: {  	_ = 	snop  }
__scs_overlays_trampoline_lowered:
0x8: {  	[smem:$0x3FAC] =	sst s0  }
0x9: {  	[smem:$0x3FAD] =	sst s1  }
0xa: {  	[smem:$0x3FAE] =	sst s2  }
0xb: {  	[smem:$0x3FAF] =	sst s3  }
0xc: {  	[smem:$0x3FB0] =	sst s4  }
0xd: {  	[smem:$0x3FB1] =	sst s5  }
0xe: {  	[smem:$0x3FB2] =	sst s6  }
0xf: {  	[smem:$0x3FB3] =	sst s7  }
0x10: {  	[smem:$0x3FB4] =	sst s8  }
0x11: {  	[smem:$0x3FB5] =	sst s9;
	s0 =	simm.s32 @!p0 $0x0  }
0x12: {  	s1 =	sld [smem:$0x3F9B];
	s0 =	simm.s32 @p0 $0x1  }
0x13: {  	[smem:$0x3FB6] =	sst s0;
	s0 =	simm.s32 @!p1 $0x0  }
0x14: {  	s2 =	sld [smem:$0x3F9A];
	s0 =	simm.s32 @p1 $0x1  }
0x15: {  	[smem:$0x3FB7] =	sst s0;
	s0 =	simm.s32 @!p2 $0x0  }
0x16: {  	s3 =	sld [smem:$0x3FDB];
	s0 =	simm.s32 @p2 $0x1  }
0x17: {  	s4 =	simm.s32 $0x1BF5;
	[smem:$0x3FB9] =	sst s0  }
0x18: {  	s0 =	sld [smem:$0x3F9C];
	_ =	swait.ge [sflag:s4], $0x0  }
0x19: {  	s7 =	sld [smem:$0x3F9D]  }
0x1a: {  	s8 =	sadd.s32 $0xFFFFE003, lr  }
0x1b: {  	s9 =	sadd.s32 $0xFFFFFEF7, lr;
	s5 =	simm.s32 $0xFFFFFFFF;
	p2 =	slt.u32 s8, $0xFFFFF086  }
0x1c: {  	p1 =	slt.u32 s9, $0xF7A;
	s5 =	simm.s32 @!p2 $0x0  }
0x1d: {  	s5 =	simm.s32 @p1 $0x1;
	p0 =	seq.s32 s7, s2  }
0x1e: {  	s7 =	smul.u32 @!p0 $0xF7A, s2;
	p2 =	seq.s32 @!p0 s5, $0x0  }
0x1f: {  	s9 =	smul.u32 $0xF7A, s1;
	s8 =	simm.s32 @!p0 $0x1BF5;
	p2 =	por !p2, p0  }
0x20: {  	[sflag:s8] =	ssyncset.s32 @!p0 $0xFFFFF086;
	s6 =	sadd.s32 @!p0 s3, s7;
	s7 =	simm.s32 @!p0 $0x108  }
0x21: {  	s3 =	sadd.s32 s3, s9;
	s6 =	sadd.s32 @!p0 $0x88, s6;
	s7 =	simm.s32 @p2 $0x1082  }
0x22: {  	[simem:s7], [sflag:s8] =	dma.local @!p0 [hbm:s6], $0xF7A  }
0x23: {  	s9 =	sor.u32 $0xD0000000, s2;
	s6 =	simm.s32 $0x108;
	_ =	swait.ge @!p0 [sflag:s8], $0x0  }
0x24: {  	s3 =	sadd.s32 $0x88, s3;
	s6 =	simm.s32 @!p1 $0x1082;
	[sflag:s4] =	ssyncset.s32 $0xFFFFF086  }
0x25: {  	[simem:s6], [sflag:s4] =	dma.local [hbm:s3], $0xF7A  }
0x26: {  	[smem:$0x3F9D] =	sst s1;
	(tag) =	ssettag s2;
	_ =	strace s9  }
0x27: {  	s1 =	sld [smem:$0x3FAD]  }
0x28: {  	s2 =	sld [smem:$0x3FAE]  }
0x29: {  	s4 =	sld [smem:$0x3FB0]  }
0x2a: {  	p0 =	seq.s32 s5, $0x0;
	s5 =	sld [smem:$0x3FB1]  }
0x2b: {  	s6 =	sld [smem:$0x3FB2]  }
0x2c: {  	s7 =	sld [smem:$0x3FB3]  }
0x2d: {  	s3 =	simm.s32 $0x108;
	s8 =	sld [smem:$0x3FB4]  }
0x2e: {  	s3 =	simm.s32 @!p0 $0x1082;
	s9 =	sld [smem:$0x3FB5]  }
0x2f: {  	lr =	sadd.s32 s0, s3;
	s0 =	sld [smem:$0x3FAC]  }
0x30: {  	s3 =	sld [smem:$0x3FAF]  }
0x31: {  	[smem:$0x3FB8] =	sst s10  }
0x32: {  	s10 =	sld [smem:$0x3FB6];
	_ =	sdelay $0x3  }
0x33: {  	p0 =	seq.s32 s10, $0x1;
	s10 =	sld [smem:$0x3FB8];
	_ =	sdelay $0x3  }
0x34: {  	[smem:$0x3FB8] =	sst s10  }
0x35: {  	s10 =	sld [smem:$0x3FB7];
	_ =	sdelay $0x3  }
0x36: {  	p1 =	seq.s32 s10, $0x1;
	s10 =	sld [smem:$0x3FB8];
	_ =	sdelay $0x3  }
0x37: {  	[smem:$0x3FB8] =	sst s10  }
0x38: {  	s10 =	sld [smem:$0x3FB9]  }
0x39: {  	_ = 	snop;
	(pc) =	sbr.ind lr, $3  }
0x3a: {  	_ = 	snop  }
0x3b: {  	_ = 	snop  }
0x3c: {  	p2 =	seq.s32 s10, $0x1;
	s10 =	sld [smem:$0x3FB8]  }
0x3d: {  	_ =	shalt  }
0x3e: {  	_ =	shalt  }
0x3f: {  	_ =	shalt  }
0x40: {  	_ =	shalt  }
0x41: {  	_ =	shalt  }
0x42: {  	_ =	shalt  }
0x43: {  	_ =	shalt  }
0x44: {  	_ =	shalt  }
0x45: {  	_ =	shalt  }
0x46: {  	_ =	shalt  }
0x47: {  	_ =	shalt  }
0x48: {  	_ =	shalt  }
0x49: {  	_ =	shalt  }
0x4a: {  	_ =	shalt  }
0x4b: {  	_ =	shalt  }
0x4c: {  	_ =	shalt  }
0x4d: {  	_ =	shalt  }
0x4e: {  	_ =	shalt  }
0x4f: {  	_ =	shalt  }
0x50: {  	_ =	shalt  }
0x51: {  	_ =	shalt  }
0x52: {  	_ =	shalt  }
0x53: {  	_ =	shalt  }
0x54: {  	_ =	shalt  }
0x55: {  	_ =	shalt  }
0x56: {  	_ =	shalt  }
0x57: {  	_ =	shalt  }
0x58: {  	_ =	shalt  }
0x59: {  	_ =	shalt  }
0x5a: {  	_ =	shalt  }
0x5b: {  	_ =	shalt  }
0x5c: {  	_ =	shalt  }
0x5d: {  	_ =	shalt  }
0x5e: {  	_ =	shalt  }
0x5f: {  	_ =	shalt  }
0x60: {  	_ =	shalt  }
0x61: {  	_ =	shalt  }
0x62: {  	_ =	shalt  }
0x63: {  	_ =	shalt  }
0x64: {  	_ =	shalt  }
0x65: {  	_ =	shalt  }
0x66: {  	_ =	shalt  }
0x67: {  	_ =	shalt  }
0x68: {  	_ =	shalt  }
0x69: {  	_ =	shalt  }
0x6a: {  	_ =	shalt  }
0x6b: {  	_ =	shalt  }
0x6c: {  	_ =	shalt  }
0x6d: {  	_ =	shalt  }
0x6e: {  	_ =	shalt  }
0x6f: {  	_ =	shalt  }
0x70: {  	_ =	shalt  }
0x71: {  	_ =	shalt  }
0x72: {  	_ =	shalt  }
0x73: {  	_ =	shalt  }
0x74: {  	_ =	shalt  }
0x75: {  	_ =	shalt  }
0x76: {  	_ =	shalt  }
0x77: {  	_ =	shalt  }
0x78: {  	_ =	shalt  }
0x79: {  	_ =	shalt  }
0x7a: {  	_ =	shalt  }
0x7b: {  	_ =	shalt  }
0x7c: {  	_ =	shalt  }
0x7d: {  	_ =	shalt  }
0x7e: {  	_ =	shalt  }
0x7f: {  	_ =	shalt  }
0x80: {  	_ =	shalt  }
0x81: {  	_ =	shalt  }
0x82: {  	_ =	shalt  }
0x83: {  	_ =	shalt  }
0x84: {  	_ =	shalt  }
0x85: {  	_ =	shalt  }
0x86: {  	_ =	shalt  }
0x87: {  	_ =	shalt  }
.Lfunc_end0:
.L_simem_size_0:
called_computation_lowered:
.L_overlay_start_0:
0x88: {  	s2 =	sld [smem:$0x3FD9]  }
0x89: {  	s3 =	sld [smem:$0x3FFE];
	_ =	sdelay $0x1  }
0x8a: {  	s1 =	srdreg.scid  }
0x8b: {  	s0 =	sand.u32 $0x1, s1  }
0x8c: {  	s17 =	sshll.u32 s0, $0xA;
	s2 =	sadd.s32 s3, s2  }
0x8d: {  	s2 =	sadd.s32 s2, s17  }
0x8e: {  	[smem:$0x3FC4] =	sst s2  }
0x8f: {  	_ = 	snop  }
0x90: {  	s2 =	sld [smem:$0x3FC9]  }
0x91: {  	s18 =	sld [smem:$0x3FC8]  }
0x92: {  	s4 =	sld [smem:$0x3FD0];
	(tm) =	ssettm $0x1  }
0x93: {  	s5 =	sld [smem:$0x3FFB];
	_ =	sdelay $0x3  }
0x94: {  	_ =	strace s5  }
0x95: {  	s5 =	sld [smem:$0x3FFC];
	_ =	sdelay $0x3  }
0x96: {  	_ =	strace s5  }
0x97: {  	s5 =	sld [smem:$0x3FFD];
	_ =	sdelay $0x3  }
0x98: {  	_ =	strace s5  }
0x99: {  	_ =	strace $0x8FFFFFFF  }
0x9a: {  	s19 =	sld [smem:$0x3FDB];
	_ =	sdelay $0x1  }
0x9b: {  	s6 =	simm.s32 $_scs_section_size  }
0x9c: {  	s7 =	simm.s32 $_size__tile_overlayer_lowered;
	s8 =	simm.s32 $_tile_overlayer_lowered  }
0x9d: {  	s22 =	simm.s32 $0x1BFF;
	s21 =	sshll.u32 s8, $0x1;
	s5 =	sadd.s32 s6, s19  }
0x9e: {  	s9 =	simm.s32 $0x0;
	s20 =	sshll.u32 s7, $0x1;
	s7 =	sadd.s32 s21, s5  }
0x9f: {  	[timem:s9], [sflag:s22] =	dma.local [hbm:s7], s20  }
0xa0: {  	_ =	swait.ge [sflag:s22], s20  }
0xa1: {  	s6 =	ssub.s32 $0x0, s20;
	[sflag:s22] =	ssyncset.done $0x0  }
0xa2: {  	[sflag:s22] =	ssyncadd.s32 s6;
	_ =	sdelay $0x1  }
0xa3: {  	s23 =	simm.s32 $0x1B8B  }
0xa4: {  	_ =	swait.ge [sflag:s23], $0x1  }
0xa5: {  	[sflag:s23] =	ssyncset.done $0x0  }
0xa6: {  	s25 =	simm.s32 $0x1B8E;
	s24 =	sld [smem:$0x3FFE];
	[sflag:s23] =	ssyncadd.s32 $0xFFFFFFFF  }
0xa7: {  	s26 =	simm.s32 $execute0_lowered;
	[smem:$0x3FD2] =	sst s25  }
0xa8: {  	s7 =	sshll.u32 s26, $0x1;
	_ =	strace $0x80000046;
	[dreg:$0x1] =	wrdreg $0xFFFFFFFF  }
0xa9: {  	s28 =	simm.s32 $_size_execute0_lowered;
	s5 =	sadd.s32 s5, s7;
	[dreg:$0x0] =	wrdreg $0x0  }
0xaa: {  	s7 =	sshll.u32 s28, $0x1;
	[dreg:$0x2] =	wrdreg s5  }
0xab: {  	[dreg:$0x3] =	wrdreg s7  }
0xac: {  	[dreg:$0x4] =	wrdreg $0xC0  }
0xad: {  	_ =	task [dreg:s9], $0x5FFFF  }
0xae: {  	[dreg:$0x1] =	wrdreg $0xFFFFFFFF  }
0xaf: {  	[dreg:$0x0] =	wrdreg $0x60  }
0xb0: {  	[dreg:$0x2] =	wrdreg s2  }
0xb1: {  	[dreg:$0x3] =	wrdreg s18  }
0xb2: {  	[dreg:$0x4] =	wrdreg s24  }
0xb3: {  	[dreg:$0x5] =	wrdreg s4  }
0xb4: {  	[dreg:$0x6] =	wrdreg $0x9  }
0xb5: {  	_ =	task.clear_ibuf [dreg:s9], $0x7FFFF;
	_ =	strace $0x90000046  }
0xb6: {  	s29 =	simm.s32 $0x9;
	_ =	strace $0x80000048  }
0xb7: {  	_ =	swait.ge [sflag:s29], $0x1  }
0xb8: {  	[sflag:s29] =	ssyncadd.s32 $0xFFFFFFFF  }
0xb9: {  	_ =	strace $0x90000048  }
0xba: {  	_ =	sfence  }
0xbb: {  	s30 =	sld [smem:$0x0];
	_ =	sdelay $0x2  }
0xbc: {  	s31 =	sshll.u32 s1, $0xD;
	s1 =	sshrl.u32 s1, $0x2  }
0xbd: {  	s3 =	sand.u32 $0x4000, s31;
	s1 =	sadd.s32 s1, s30  }
0xbe: {  	s0 =	sor.u32 s3, s0;
	s1 =	sshll.u32 s1, $0x11  }
0xbf: {  	s0 =	sor.u32 s1, s0  }
0xc0: {  	s0 =	sadd.s32 $0x8F2B, s0  }
0xc1: {  	[sflag:s0] =	ssyncadd.remote.s32 $0x1  }
0xc2: {  	_ =	sfence.sel $0xFFFF  }
0xc3: {  	[dreg:$0x0] =	wrdreg $0xFFFFFFFF;
	(pc) =	sbr.abs _section_cstart, $3  }
0xc4: {  	[dreg:$0x1] =	wrdreg $0xFFFFFFFF  }
0xc5: {  	_ =	task.clear_ibuf [dreg:s9], $0x2FFFF;
	_ =	strace $0x9FFFFFFF  }
0xc6: {  	(tm) =	ssettm $0x7FFFFFFF  }
0xc7: {  	_ =	shalt  }
tec
execute0_lowered:
.L_overlay_start_1:
0x0: {  	(tag) =	ssettag $0x1  }
0x1: {  	s0 =	rddreg [dreg:$0x0]  }
0x2: {  	s1 =	rddreg [dreg:$0x1]  }
0x3: {  	s2 =	srdreg.scid;
	s4 =	rddreg [dreg:$0x2]  }
0x4: {  	s3 =	rddreg [dreg:$0x3];
	s5 =	sand.u32 $0x1, s2;
	s2 =	simm.s32 $0x0  }
0x5: {  	s19 =	simm.s32 $0x200;
	[smem:$0x7FF] =	sst s2  }
0x6: {  	s20 =	simm.s32 $0x8E00;
	_ =	strace $0x80000047;
	[dreg:$0xe] =	wrdreg s19  }
0x7: {  	s21 =	simm.s32 $0x9600;
	[dreg:$0xf] =	wrdreg s20  }
0x8: {  	s22 =	simm.s32 $0x9E00;
	[dreg:$0x10] =	wrdreg s21  }
0x9: {  	s23 =	simm.s32 $0xA600;
	[dreg:$0x11] =	wrdreg s22  }
0xa: {  	s24 =	simm.s32 $0xAE00;
	[dreg:$0x12] =	wrdreg s23  }
0xb: {  	s26 =	simm.s32 $0xB600;
	[dreg:$0x13] =	wrdreg s24  }
0xc: {  	s8 =	simm.s32 $0xDE00;
	[dreg:$0x14] =	wrdreg s26  }
0xd: {  	s6 =	stileid.u32;
	s9 =	simm.s32 $0xE600;
	[dreg:$0x18] =	wrdreg s8  }
0xe: {  	s28 =	simm.s32 $0x1;
	[dreg:$0x19] =	wrdreg s9;
	s19 =	simm.s32 $0x13E00  }
0xf: {  	s29 =	simm.s32 $0x2;
	s20 =	simm.s32 $0x14E00;
	[smem:$0x7F6] =	sst s19  }
0x10: {  	s30 =	simm.s32 $0x6E00;
	s21 =	simm.s32 $0x15600;
	[smem:$0x7F7] =	sst s20  }
0x11: {  	s6 =	sshll.u32 s6, $0xA;
	s22 =	simm.s32 $0x15E00;
	[smem:$0x7F8] =	sst s21  }
0x12: {  	s7 =	sshll.u32 s5, $0x9;
	s23 =	simm.s32 $0x16600;
	[smem:$0x7F9] =	sst s22  }
0x13: {  	s6 =	sor.u32 s7, s6;
	s24 =	simm.s32 $0x16E00;
	[smem:$0x7FA] =	sst s23  }
0x14: {  	s26 =	simm.s32 $0x17E00;
	s7 =	sshrl.u32 s6, $0x3;
	[smem:$0x7FB] =	sst s24  }
0x15: {  	s31 =	simm.s32 $0x7600;
	[smem:$0x7FD] =	sst s26;
	s0 =	sadd.s32 s0, s7  }
0x16: {  	s6 =	sshll.u32 s6, $0x5;
	s10 =	sadd.s32 s1, s7;
	[dreg:$0x5] =	wrdreg s0  }
0x17: {  	s4 =	sadd.s32 $0x400, s4;
	s11 =	sadd.s32 s3, s6;
	[dreg:$0x6] =	wrdreg s10  }
0x18: {  	s25 =	ssub.s32 $0x2, s5;
	s3 =	simm.s32 $0xBE00;
	[smem:$0x7F2] =	sst s11  }
0x19: {  	s5 =	sshrl.u32 s25, $0x1;
	s6 =	simm.s32 $0xCE00;
	[dreg:$0x15] =	wrdreg s3  }
0x1a: {  	s8 =	simm.s32 $0x7;
	s7 =	simm.s32 $0xD600;
	[dreg:$0x16] =	wrdreg s6  }
0x1b: {  	s1 =	ssub.s32 s25, s5;
	s25 =	simm.s32 $0x17600;
	[dreg:$0x17] =	wrdreg s7  }
0x1c: {  	s9 =	simm.s32 $0x8;
	s12 =	sadd.s32 $0x800, s11;
	[smem:$0x7FC] =	sst s25  }
0x1d: {  	s19 =	simm.s32 $0x1E00;
	s13 =	sadd.s32 $0x1000, s11;
	[dreg:$0x7] =	wrdreg s12  }
0x1e: {  	s20 =	simm.s32 $0x2600;
	s14 =	sadd.s32 $0x1800, s11;
	[dreg:$0x8] =	wrdreg s13  }
0x1f: {  	s21 =	simm.s32 $0x2E00;
	s15 =	sadd.s32 $0x2000, s11;
	[dreg:$0x9] =	wrdreg s14  }
0x20: {  	s22 =	simm.s32 $0x3600;
	s16 =	sadd.s32 $0x2800, s11;
	[dreg:$0xa] =	wrdreg s15  }
0x21: {  	s23 =	simm.s32 $0x3E00;
	s17 =	sadd.s32 $0x3000, s11;
	[dreg:$0xb] =	wrdreg s16  }
0x22: {  	s24 =	simm.s32 $0x4E00;
	s18 =	sadd.s32 $0x3800, s11;
	[dreg:$0xc] =	wrdreg s17  }
0x23: {  	s26 =	simm.s32 $0x5E00;
	s10 =	simm.s32 $0xEE00;
	[dreg:$0xd] =	wrdreg s18  }
0x24: {  	s5 =	smax.u32 s1, $0x1;
	s11 =	simm.s32 $0xF600;
	[dreg:$0x1a] =	wrdreg s10  }
0x25: {  	s6 =	simm.s32 $0xD;
	[dreg:$0x1b] =	wrdreg s11;
	s12 =	simm.s32 $0xFE00  }
0x26: {  	s7 =	simm.s32 $0x600;
	s13 =	simm.s32 $0x10E00;
	[dreg:$0x1c] =	wrdreg s12  }
0x27: {  	s25 =	simm.s32 $0x5600;
	s14 =	simm.s32 $0x11600;
	[dreg:$0x1d] =	wrdreg s13  }
0x28: {  	s3 =	simm.s32 $0x6600;
	s15 =	simm.s32 $0x11E00;
	[dreg:$0x1e] =	wrdreg s14  }
0x29: {  	s1 =	simm.s32 $0x7E00;
	s16 =	simm.s32 $0x12600;
	[dreg:$0x1f] =	wrdreg s15  }
0x2a: {  	s17 =	simm.s32 $0x12E00;
	s18 =	simm.s32 $0x13600;
	[smem:$0x7F3] =	sst s16  }
0x2b: {  	v2 =	vlaneseq.u32;
	s10 =	simm.s32 $0xC600;
	s11 =	simm.s32 $0x10600;
	[smem:$0x7F4] =	sst s17  }
0x2c: {  	vm0 =	vmmov $0xffff;
	v1 =	vshrl.u32 v2, $0x3;
	s15 =	simm.s32 $0x4600;
	[smem:$0x7F5] =	sst s18;
	s13 =	simm.s32 $0xC  }
0x2d: {  	v0 =	vand.u32 $0x7, v2;
	v2 =	vor.u32 $0x8, v2;
	v1 =	vmul.u32 $0x8, v1;
	s17 =	simm.s32 $0xE00;
	s18 =	simm.s32 $0x1600;
	s12 =	simm.s32 $0x14600  }
.LBB2_1:
0x2e: {  	s14 =	rddreg [dreg:$0x5]  }
0x2f: {  	[tilespmem:s2], [sflag:$0xD] =	stream.linear.gather [hbm4b:s14+s2], $0x200, $0x38;
	[tilespmem:$0x18600] =	vst v63  }
0x30: {  	_ =	swait.ge [sflag:s6], $0x200  }
0x31: {  	s0 =	rddreg [dreg:$0x6];
	[sflag:s6] =	ssyncset.done $0x0  }
0x32: {  	s16 =	rddreg [dreg:$0xe];
	[sflag:s6] =	ssyncadd.s32 $0xFFFFFE00  }
0x33: {  	[tilespmem:s16], [sflag:$0xD] =	stream.linear.gather [hbm4b:s0+s2], $0x200, $0x38;
	[tilespmem:$0x18600] =	vst v63  }
0x34: {  	_ =	swait.ge [sflag:s6], $0x200  }
0x35: {  	[sflag:s6] =	ssyncset.done $0x0  }
0x36: {  	[sflag:s6] =	ssyncadd.s32 $0xFFFFFE00  }
0x37: {  	v3 =	vld [tilespmem:$0x0]  }
0x38: {  	v4 =	vld [tilespmem:$0x200]  }
0x39: {  	v5 =	vld [tilespmem:$0x10]  }
0x3a: {  	v6 =	vld [tilespmem:$0x210]  }
0x3b: {  	v7 =	vld [tilespmem:$0x20]  }
0x3c: {  	v8 =	vld [tilespmem:$0x220]  }
0x3d: {  	v9 =	vld [tilespmem:$0x30]  }
0x3e: {  	v10 =	vld [tilespmem:$0x230]  }
0x3f: {  	v11 =	vld [tilespmem:$0x40]  }
0x40: {  	v12 =	vld [tilespmem:$0x240]  }
0x41: {  	v13 =	vld [tilespmem:$0x50]  }
0x42: {  	v14 =	vld [tilespmem:$0x250]  }
0x43: {  	v15 =	vld [tilespmem:$0x60]  }
0x44: {  	v16 =	vld [tilespmem:$0x260]  }
0x45: {  	v17 =	vld [tilespmem:$0x70]  }
0x46: {  	v18 =	vld [tilespmem:$0x270]  }
0x47: {  	v19 =	vld [tilespmem:$0x80]  }
0x48: {  	v20 =	vld [tilespmem:$0x280]  }
0x49: {  	v21 =	vld [tilespmem:$0x90]  }
0x4a: {  	v22 =	vld [tilespmem:$0x290]  }
0x4b: {  	v23 =	vld [tilespmem:$0xA0]  }
0x4c: {  	v24 =	vld [tilespmem:$0x2A0]  }
0x4d: {  	v25 =	vld [tilespmem:$0xB0]  }
0x4e: {  	v26 =	vld [tilespmem:$0x2B0]  }
0x4f: {  	v27 =	vld [tilespmem:$0xC0]  }
0x50: {  	v28 =	vld [tilespmem:$0x2C0]  }
0x51: {  	v29 =	vld [tilespmem:$0xD0]  }
0x52: {  	v30 =	vld [tilespmem:$0x2D0]  }
0x53: {  	v31 =	vld [tilespmem:$0xE0]  }
0x54: {  	v32 =	vld [tilespmem:$0x2E0]  }
0x55: {  	v33 =	vld [tilespmem:$0xF0]  }
0x56: {  	v34 =	vld [tilespmem:$0x2F0]  }
0x57: {  	v35 =	vld [tilespmem:$0x100]  }
0x58: {  	v36 =	vld [tilespmem:$0x300]  }
0x59: {  	v37 =	vld [tilespmem:$0x110]  }
0x5a: {  	v38 =	vld [tilespmem:$0x310];
	v5 =	vmul.u32 $0x64, v5  }
0x5b: {  	v39 =	vld [tilespmem:$0x120];
	v7 =	vmul.u32 $0x64, v7  }
0x5c: {  	v43 =	vld [tilespmem:$0x140];
	v60 =	vmul.u32 $0x64, v9;
	v5 =	vadd.s32 v6, v5  }
0x5d: {  	v48 =	vld [tilespmem:$0x150];
	v62 =	vmul.u32 $0x64, v11;
	v61 =	vadd.s32 v8, v7;
	[tilespmem:$0x410] =	vst v5  }
0x5e: {  	v51 =	vld [tilespmem:$0x350];
	v40 =	vmul.u32 $0x64, v13;
	v63 =	vadd.s32 v10, v60;
	[tilespmem:$0x420] =	vst v61  }
0x5f: {  	v54 =	vld [tilespmem:$0x160];
	v42 =	vmul.u32 $0x64, v15;
	v41 =	vadd.s32 v12, v62;
	[tilespmem:$0x430] =	vst v63  }
0x60: {  	v57 =	vld [tilespmem:$0x360];
	v45 =	vmul.u32 $0x64, v17;
	v47 =	vmul.u32 $0x64, v19;
	v44 =	vadd.s32 v14, v40;
	[tilespmem:$0x440] =	vst v41  }
0x61: {  	v9 =	vld [tilespmem:$0x320];
	v50 =	vmul.u32 $0x64, v21;
	v53 =	vmul.u32 $0x64, v23;
	v46 =	vadd.s32 v16, v42;
	[tilespmem:$0x450] =	vst v44  }
0x62: {  	v56 =	vmul.u32 $0x64, v25;
	v59 =	vmul.u32 $0x64, v27;
	v25 =	vld [tilespmem:$0x180];
	v49 =	vadd.s32 v18, v45;
	[tilespmem:$0x460] =	vst v46  }
0x63: {  	v27 =	vmul.u32 $0x64, v33;
	v33 =	vmul.u32 $0x64, v37;
	v37 =	vld [tilespmem:$0x1A0];
	v52 =	vadd.s32 v20, v47;
	[tilespmem:$0x470] =	vst v49  }
0x64: {  	v21 =	vld [tilespmem:$0x1F0];
	v55 =	vadd.s32 v22, v50;
	[tilespmem:$0x480] =	vst v52  }
0x65: {  	v3 =	vmul.u32 $0x64, v3;
	v8 =	vld [tilespmem:$0x130];
	v58 =	vadd.s32 v24, v53;
	[tilespmem:$0x490] =	vst v55  }
0x66: {  	v10 =	vld [tilespmem:$0x330];
	v23 =	vadd.s32 v28, v59;
	[tilespmem:$0x4A0] =	vst v58  }
0x67: {  	v12 =	vld [tilespmem:$0x340];
	v62 =	vmul.u32 $0x64, v29;
	v3 =	vadd.s32 v4, v3;
	[tilespmem:$0x4C0] =	vst v23  }
0x68: {  	v60 =	vld [tilespmem:$0x170];
	v24 =	vmul.u32 $0x64, v31;
	v61 =	vadd.s32 v26, v56;
	[tilespmem:$0x400] =	vst v3  }
0x69: {  	v28 =	vld [tilespmem:$0x380];
	[tilespmem:$0x4B0] =	vst v61;
	v26 =	vadd.s32 v30, v62  }
0x6a: {  	v31 =	vld [tilespmem:$0x190];
	v46 =	vmul.u32 $0x64, v48;
	v29 =	vadd.s32 v32, v24;
	[tilespmem:$0x4D0] =	vst v26  }
0x6b: {  	v47 =	vld [tilespmem:$0x3B0];
	v49 =	vmul.u32 $0x64, v54;
	v32 =	vadd.s32 v34, v27;
	[tilespmem:$0x4E0] =	vst v29  }
0x6c: {  	v50 =	vld [tilespmem:$0x1C0];
	v30 =	vmul.u32 $0x64, v35;
	[tilespmem:$0x4F0] =	vst v32;
	v51 =	vadd.s32 v51, v46  }
0x6d: {  	v63 =	vld [tilespmem:$0x370];
	v54 =	vadd.s32 v57, v49;
	[tilespmem:$0x550] =	vst v51  }
0x6e: {  	v43 =	vmul.u32 $0x64, v43;
	v41 =	vld [tilespmem:$0x3A0];
	v35 =	vadd.s32 v36, v30;
	[tilespmem:$0x560] =	vst v54  }
0x6f: {  	v53 =	vld [tilespmem:$0x3C0];
	v55 =	vmul.u32 $0x64, v25;
	v36 =	vmul.u32 $0x64, v39;
	v39 =	vadd.s32 v38, v33;
	[tilespmem:$0x500] =	vst v35  }
0x70: {  	v44 =	vld [tilespmem:$0x1B0];
	[tilespmem:$0x510] =	vst v39;
	v48 =	vadd.s32 v12, v43  }
0x71: {  	v34 =	vld [tilespmem:$0x390];
	v20 =	vmul.u32 $0x64, v37;
	v52 =	vmul.u32 $0x64, v60;
	v60 =	vadd.s32 v28, v55;
	[tilespmem:$0x540] =	vst v48  }
0x72: {  	v62 =	vld [tilespmem:$0x1E0];
	v40 =	vmul.u32 $0x64, v8;
	v56 =	vmul.u32 $0x64, v31;
	v42 =	vadd.s32 v9, v36;
	[tilespmem:$0x580] =	vst v60  }
0x73: {  	v57 =	vld [tilespmem:$0x1D0];
	v4 =	vadd.s32 v41, v20;
	[tilespmem:$0x520] =	vst v42;
	v58 =	vadd.s32 v63, v52;
	v63 =	vshll.u32 v3, $0x1  }
0x74: {  	v25 =	vld [tilespmem:$0x3F0];
	v45 =	vadd.s32 v10, v40;
	v3 =	vand.u32 $0x7, v3;
	[tilespmem:$0x5A0] =	vst v4;
	v15 =	vand.u32 $0xFFFFFFF0, v63  }
0x75: {  	v24 =	vld [tilespmem:$0x3E0];
	v23 =	vmul.u32 $0x64, v50;
	[tilespmem:$0x530] =	vst v45;
	v3 =	vor.u32 v3, v15  }
0x76: {  	v59 =	vld [tilespmem:$0x3D0];
	v22 =	vmul.u32 $0x64, v44;
	v61 =	vadd.s32 v34, v56;
	[tilespmem:$0x570] =	vst v58;
	v26 =	vperm.xlane v3, v0  }
0x77: {  	v31 =	vmul.u32 $0x64, v21;
	v28 =	vadd.s32 v53, v23;
	v30 =	vmul.u32 $0x64, v62;
	[tilespmem:$0x590] =	vst v61  }
0x78: {  	v27 =	vadd.s32 v47, v22;
	[tilespmem:$0x5C0] =	vst v28;
	v3 =	vperm.xlane v3, v2;
	v8 =	vadd.s32 v1, v26  }
0x79: {  	v29 =	vmul.u32 $0x64, v57;
	v32 =	vadd.s32 v25, v31;
	[tilespmem:$0x5B0] =	vst v27  }
0x7a: {  	v4 =	vadd.s32 v24, v30;
	[tilespmem:$0x5F0] =	vst v32;
	v3 =	vadd.s32 v1, v3  }
0x7b: {  	v5 =	vadd.s32 v59, v29;
	[tilespmem:$0x5E0] =	vst v4  }
0x7c: {  	[tilespmem:$0x5D0] =	vst v5  }
0x7d: {  	[tilespmem:s7], [sflag:$0x1] =	stream.indirect_vreg.gather [hbm4b:s4+s2], $0x80, v8, vm0, $0xb8;
	[tilespmem:$0x18600] =	vst v63  }
0x7e: {  	_ = 	snop  }
0x7f: {  	[tilespmem:s17], [sflag:$0x1] =	stream.indirect_vreg.gather [hbm4b:s4+s2], $0x80, v3, vm0, $0xb8;
	[tilespmem:$0x18600] =	vst v63  }
0x80: {  	v3 =	vld [tilespmem:$0x410];
	_ =	sdelay $0x4  }
0x81: {  	v33 =	vshll.u32 v3, $0x1  }
0x82: {  	v3 =	vand.u32 $0x7, v3;
	v4 =	vand.u32 $0xFFFFFFF0, v33  }
0x83: {  	v3 =	vor.u32 v3, v4  }
0x84: {  	v4 =	vperm.xlane v3, v0;
	_ =	sdelay $0x1  }
0x85: {  	v3 =	vperm.xlane v3, v2;
	v4 =	vadd.s32 v1, v4;
	_ =	sdelay $0x1  }
0x86: {  	v3 =	vadd.s32 v1, v3;
	_ =	sdelay $0x2  }
0x87: {  	[tilespmem:s18], [sflag:$0x1] =	stream.indirect_vreg.gather [hbm4b:s4+s2], $0x80, v4, vm0, $0xb8;
	[tilespmem:$0x18600] =	vst v63  }
0x88: {  	_ = 	snop  }
0x89: {  	[tilespmem:s19], [sflag:$0x1] =	stream.indirect_vreg.gather [hbm4b:s4+s2], $0x80, v3, vm0, $0xb8;
	[tilespmem:$0x18600] =	vst v63  }
0x8a: {  	v3 =	vld [tilespmem:$0x420];
	_ =	sdelay $0x4  }
0x8b: {  	v34 =	vshll.u32 v3, $0x1  }
0x8c: {  	v3 =	vand.u32 $0x7, v3;
	v4 =	vand.u32 $0xFFFFFFF0, v34  }
0x8d: {  	v3 =	vor.u32 v3, v4  }
0x8e: {  	v4 =	vperm.xlane v3, v0;
	_ =	sdelay $0x1  }
0x8f: {  	v3 =	vperm.xlane v3, v2;
	v4 =	vadd.s32 v1, v4;
	_ =	sdelay $0x1  }
0x90: {  	v3 =	vadd.s32 v1, v3;
	_ =	sdelay $0x2  }
0x91: {  	[tilespmem:s20], [sflag:$0x1] =	stream.indirect_vreg.gather [hbm4b:s4+s2], $0x80, v4, vm0, $0xb8;
	[tilespmem:$0x18600] =	vst v63  }
0x92: {  	_ = 	snop  }
0x93: {  	[tilespmem:s21], [sflag:$0x1] =	stream.indirect_vreg.gather [hbm4b:s4+s2], $0x80, v3, vm0, $0xb8;
	[tilespmem:$0x18600] =	vst v63  }
0x94: {  	v3 =	vld [tilespmem:$0x430];
	_ =	sdelay $0x4  }
0x95: {  	v35 =	vshll.u32 v3, $0x1  }
0x96: {  	v3 =	vand.u32 $0x7, v3;
	v4 =	vand.u32 $0xFFFFFFF0, v35  }
0x97: {  	v3 =	vor.u32 v3, v4  }
0x98: {  	v4 =	vperm.xlane v3, v0;
	_ =	sdelay $0x1  }
0x99: {  	v3 =	vperm.xlane v3, v2;
	v4 =	vadd.s32 v1, v4;
	_ =	sdelay $0x1  }
0x9a: {  	v3 =	vadd.s32 v1, v3;
	_ =	sdelay $0x2  }
0x9b: {  	[tilespmem:s22], [sflag:$0x1] =	stream.indirect_vreg.gather [hbm4b:s4+s2], $0x80, v4, vm0, $0xb8;
	[tilespmem:$0x18600] =	vst v63  }
0x9c: {  	_ = 	snop  }
0x9d: {  	[tilespmem:s23], [sflag:$0x1] =	stream.indirect_vreg.gather [hbm4b:s4+s2], $0x80, v3, vm0, $0xb8;
	[tilespmem:$0x18600] =	vst v63  }
0x9e: {  	v3 =	vld [tilespmem:$0x440];
	_ =	sdelay $0x4  }
0x9f: {  	v36 =	vshll.u32 v3, $0x1  }
0xa0: {  	v3 =	vand.u32 $0x7, v3;
	v4 =	vand.u32 $0xFFFFFFF0, v36  }
0xa1: {  	v3 =	vor.u32 v3, v4  }
0xa2: {  	v4 =	vperm.xlane v3, v0;
	_ =	sdelay $0x1  }
0xa3: {  	v3 =	vperm.xlane v3, v2;
	v4 =	vadd.s32 v1, v4;
	_ =	sdelay $0x1  }
0xa4: {  	v3 =	vadd.s32 v1, v3;
	_ =	sdelay $0x2  }
0xa5: {  	[tilespmem:s15], [sflag:$0x2] =	stream.indirect_vreg.gather [hbm4b:s4+s2], $0x80, v4, vm0, $0xb8;
	[tilespmem:$0x18600] =	vst v63  }
0xa6: {  	_ = 	snop  }
0xa7: {  	[tilespmem:s24], [sflag:$0x2] =	stream.indirect_vreg.gather [hbm4b:s4+s2], $0x80, v3, vm0, $0xb8;
	[tilespmem:$0x18600] =	vst v63  }
0xa8: {  	v3 =	vld [tilespmem:$0x450];
	_ =	sdelay $0x4  }
0xa9: {  	v37 =	vshll.u32 v3, $0x1  }
0xaa: {  	v3 =	vand.u32 $0x7, v3;
	v4 =	vand.u32 $0xFFFFFFF0, v37  }
0xab: {  	v3 =	vor.u32 v3, v4  }
0xac: {  	v4 =	vperm.xlane v3, v0;
	_ =	sdelay $0x1  }
0xad: {  	v3 =	vperm.xlane v3, v2;
	v4 =	vadd.s32 v1, v4;
	_ =	sdelay $0x1  }
0xae: {  	v3 =	vadd.s32 v1, v3;
	_ =	sdelay $0x2  }
0xaf: {  	[tilespmem:s25], [sflag:$0x2] =	stream.indirect_vreg.gather [hbm4b:s4+s2], $0x80, v4, vm0, $0xb8;
	[tilespmem:$0x18600] =	vst v63  }
0xb0: {  	_ = 	snop  }
0xb1: {  	[tilespmem:s26], [sflag:$0x2] =	stream.indirect_vreg.gather [hbm4b:s4+s2], $0x80, v3, vm0, $0xb8;
	[tilespmem:$0x18600] =	vst v63  }
0xb2: {  	v3 =	vld [tilespmem:$0x460];
	_ =	sdelay $0x4  }
0xb3: {  	v38 =	vshll.u32 v3, $0x1  }
0xb4: {  	v3 =	vand.u32 $0x7, v3;
	v4 =	vand.u32 $0xFFFFFFF0, v38  }
0xb5: {  	v3 =	vor.u32 v3, v4  }
0xb6: {  	v4 =	vperm.xlane v3, v0;
	_ =	sdelay $0x1  }
0xb7: {  	v3 =	vperm.xlane v3, v2;
	v4 =	vadd.s32 v1, v4;
	_ =	sdelay $0x1  }
0xb8: {  	v3 =	vadd.s32 v1, v3;
	_ =	sdelay $0x2  }
0xb9: {  	[tilespmem:s3], [sflag:$0x2] =	stream.indirect_vreg.gather [hbm4b:s4+s2], $0x80, v4, vm0, $0xb8;
	[tilespmem:$0x18600] =	vst v63  }
0xba: {  	_ = 	snop  }
0xbb: {  	[tilespmem:s30], [sflag:$0x2] =	stream.indirect_vreg.gather [hbm4b:s4+s2], $0x80, v3, vm0, $0xb8;
	[tilespmem:$0x18600] =	vst v63  }
0xbc: {  	v3 =	vld [tilespmem:$0x470];
	_ =	sdelay $0x4  }
0xbd: {  	v39 =	vshll.u32 v3, $0x1  }
0xbe: {  	v3 =	vand.u32 $0x7, v3;
	v4 =	vand.u32 $0xFFFFFFF0, v39  }
0xbf: {  	v3 =	vor.u32 v3, v4  }
0xc0: {  	v4 =	vperm.xlane v3, v0;
	_ =	sdelay $0x1  }
0xc1: {  	v3 =	vperm.xlane v3, v2;
	v4 =	vadd.s32 v1, v4;
	_ =	sdelay $0x1  }
0xc2: {  	v3 =	vadd.s32 v1, v3;
	_ =	sdelay $0x2  }
0xc3: {  	[tilespmem:s31], [sflag:$0x2] =	stream.indirect_vreg.gather [hbm4b:s4+s2], $0x80, v4, vm0, $0xb8;
	[tilespmem:$0x18600] =	vst v63  }
0xc4: {  	_ = 	snop  }
0xc5: {  	[tilespmem:s1], [sflag:$0x2] =	stream.indirect_vreg.gather [hbm4b:s4+s2], $0x80, v3, vm0, $0xb8;
	[tilespmem:$0x18600] =	vst v63  }
0xc6: {  	v3 =	vld [tilespmem:$0x480];
	_ =	sdelay $0x4  }
0xc7: {  	v40 =	vshll.u32 v3, $0x1  }
0xc8: {  	v3 =	vand.u32 $0x7, v3;
	v4 =	vand.u32 $0xFFFFFFF0, v40  }
0xc9: {  	v3 =	vor.u32 v3, v4  }
0xca: {  	v4 =	vperm.xlane v3, v0;
	_ =	sdelay $0x1  }
0xcb: {  	v3 =	vperm.xlane v3, v2;
	v4 =	vadd.s32 v1, v4;
	_ =	sdelay $0x1  }
0xcc: {  	v3 =	vadd.s32 v1, v3;
	_ =	sdelay $0x1  }
0xcd: {  	s0 =	simm.s32 $0x8600  }
0xce: {  	[tilespmem:s0], [sflag:$0x3] =	stream.indirect_vreg.gather [hbm4b:s4+s2], $0x80, v4, vm0, $0xb8;
	[tilespmem:$0x18600] =	vst v63  }
0xcf: {  	s16 =	rddreg [dreg:$0xf]  }
0xd0: {  	[tilespmem:s16], [sflag:$0x3] =	stream.indirect_vreg.gather [hbm4b:s4+s2], $0x80, v3, vm0, $0xb8;
	[tilespmem:$0x18600] =	vst v63  }
0xd1: {  	v3 =	vld [tilespmem:$0x490];
	_ =	sdelay $0x4  }
0xd2: {  	v41 =	vshll.u32 v3, $0x1  }
0xd3: {  	v3 =	vand.u32 $0x7, v3;
	v4 =	vand.u32 $0xFFFFFFF0, v41  }
0xd4: {  	v3 =	vor.u32 v3, v4  }
0xd5: {  	v4 =	vperm.xlane v3, v0;
	_ =	sdelay $0x1  }
0xd6: {  	v3 =	vperm.xlane v3, v2;
	v4 =	vadd.s32 v1, v4;
	_ =	sdelay $0x1  }
0xd7: {  	v3 =	vadd.s32 v1, v3;
	_ =	sdelay $0x1  }
0xd8: {  	s14 =	rddreg [dreg:$0x10]  }
0xd9: {  	[tilespmem:s14], [sflag:$0x3] =	stream.indirect_vreg.gather [hbm4b:s4+s2], $0x80, v4, vm0, $0xb8;
	[tilespmem:$0x18600] =	vst v63  }
0xda: {  	s16 =	rddreg [dreg:$0x11]  }
0xdb: {  	[tilespmem:s16], [sflag:$0x3] =	stream.indirect_vreg.gather [hbm4b:s4+s2], $0x80, v3, vm0, $0xb8;
	[tilespmem:$0x18600] =	vst v63  }
0xdc: {  	v3 =	vld [tilespmem:$0x4A0];
	_ =	sdelay $0x4  }
0xdd: {  	v42 =	vshll.u32 v3, $0x1  }
0xde: {  	v3 =	vand.u32 $0x7, v3;
	v4 =	vand.u32 $0xFFFFFFF0, v42  }
0xdf: {  	v3 =	vor.u32 v3, v4  }
0xe0: {  	v4 =	vperm.xlane v3, v0;
	_ =	sdelay $0x1  }
0xe1: {  	v3 =	vperm.xlane v3, v2;
	v4 =	vadd.s32 v1, v4;
	_ =	sdelay $0x1  }
0xe2: {  	v3 =	vadd.s32 v1, v3;
	_ =	sdelay $0x1  }
0xe3: {  	s14 =	rddreg [dreg:$0x12]  }
0xe4: {  	[tilespmem:s14], [sflag:$0x3] =	stream.indirect_vreg.gather [hbm4b:s4+s2], $0x80, v4, vm0, $0xb8;
	[tilespmem:$0x18600] =	vst v63  }
0xe5: {  	s16 =	rddreg [dreg:$0x13]  }
0xe6: {  	[tilespmem:s16], [sflag:$0x3] =	stream.indirect_vreg.gather [hbm4b:s4+s2], $0x80, v3, vm0, $0xb8;
	[tilespmem:$0x18600] =	vst v63  }
0xe7: {  	v3 =	vld [tilespmem:$0x4B0];
	_ =	sdelay $0x4  }
0xe8: {  	v43 =	vshll.u32 v3, $0x1  }
0xe9: {  	v3 =	vand.u32 $0x7, v3;
	v4 =	vand.u32 $0xFFFFFFF0, v43  }
0xea: {  	v3 =	vor.u32 v3, v4  }
0xeb: {  	v4 =	vperm.xlane v3, v0;
	_ =	sdelay $0x1  }
0xec: {  	v3 =	vperm.xlane v3, v2;
	v4 =	vadd.s32 v1, v4;
	_ =	sdelay $0x1  }
0xed: {  	v3 =	vadd.s32 v1, v3;
	_ =	sdelay $0x1  }
0xee: {  	s14 =	rddreg [dreg:$0x14]  }
0xef: {  	[tilespmem:s14], [sflag:$0x3] =	stream.indirect_vreg.gather [hbm4b:s4+s2], $0x80, v4, vm0, $0xb8;
	[tilespmem:$0x18600] =	vst v63  }
0xf0: {  	s16 =	rddreg [dreg:$0x15]  }
0xf1: {  	[tilespmem:s16], [sflag:$0x3] =	stream.indirect_vreg.gather [hbm4b:s4+s2], $0x80, v3, vm0, $0xb8;
	[tilespmem:$0x18600] =	vst v63  }
0xf2: {  	v3 =	vld [tilespmem:$0x4C0];
	_ =	sdelay $0x4  }
0xf3: {  	v44 =	vshll.u32 v3, $0x1  }
0xf4: {  	v3 =	vand.u32 $0x7, v3;
	v4 =	vand.u32 $0xFFFFFFF0, v44  }
0xf5: {  	v3 =	vor.u32 v3, v4  }
0xf6: {  	v4 =	vperm.xlane v3, v0;
	_ =	sdelay $0x1  }
0xf7: {  	v3 =	vperm.xlane v3, v2;
	v4 =	vadd.s32 v1, v4;
	_ =	sdelay $0x1  }
0xf8: {  	v3 =	vadd.s32 v1, v3;
	_ =	sdelay $0x2  }
0xf9: {  	[tilespmem:s10], [sflag:$0x4] =	stream.indirect_vreg.gather [hbm4b:s4+s2], $0x80, v4, vm0, $0xb8;
	[tilespmem:$0x18600] =	vst v63  }
0xfa: {  	s16 =	rddreg [dreg:$0x16]  }
0xfb: {  	[tilespmem:s16], [sflag:$0x4] =	stream.indirect_vreg.gather [hbm4b:s4+s2], $0x80, v3, vm0, $0xb8;
	[tilespmem:$0x18600] =	vst v63  }
0xfc: {  	v3 =	vld [tilespmem:$0x4D0];
	_ =	sdelay $0x4  }
0xfd: {  	v45 =	vshll.u32 v3, $0x1  }
0xfe: {  	v3 =	vand.u32 $0x7, v3;
	v4 =	vand.u32 $0xFFFFFFF0, v45  }
0xff: {  	v3 =	vor.u32 v3, v4  }
0x100: {  	v4 =	vperm.xlane v3, v0;
	_ =	sdelay $0x1  }
0x101: {  	v3 =	vperm.xlane v3, v2;
	v4 =	vadd.s32 v1, v4;
	_ =	sdelay $0x1  }
0x102: {  	v3 =	vadd.s32 v1, v3;
	_ =	sdelay $0x1  }
0x103: {  	s14 =	rddreg [dreg:$0x17]  }
0x104: {  	[tilespmem:s14], [sflag:$0x4] =	stream.indirect_vreg.gather [hbm4b:s4+s2], $0x80, v4, vm0, $0xb8;
	[tilespmem:$0x18600] =	vst v63  }
0x105: {  	s16 =	rddreg [dreg:$0x18]  }
0x106: {  	[tilespmem:s16], [sflag:$0x4] =	stream.indirect_vreg.gather [hbm4b:s4+s2], $0x80, v3, vm0, $0xb8;
	[tilespmem:$0x18600] =	vst v63  }
0x107: {  	v3 =	vld [tilespmem:$0x4E0];
	_ =	sdelay $0x4  }
0x108: {  	v46 =	vshll.u32 v3, $0x1  }
0x109: {  	v3 =	vand.u32 $0x7, v3;
	v4 =	vand.u32 $0xFFFFFFF0, v46  }
0x10a: {  	v3 =	vor.u32 v3, v4  }
0x10b: {  	v4 =	vperm.xlane v3, v0;
	_ =	sdelay $0x1  }
0x10c: {  	v3 =	vperm.xlane v3, v2;
	v4 =	vadd.s32 v1, v4;
	_ =	sdelay $0x1  }
0x10d: {  	v3 =	vadd.s32 v1, v3;
	_ =	sdelay $0x1  }
0x10e: {  	s14 =	rddreg [dreg:$0x19]  }
0x10f: {  	[tilespmem:s14], [sflag:$0x4] =	stream.indirect_vreg.gather [hbm4b:s4+s2], $0x80, v4, vm0, $0xb8;
	[tilespmem:$0x18600] =	vst v63  }
0x110: {  	s16 =	rddreg [dreg:$0x1a]  }
0x111: {  	[tilespmem:s16], [sflag:$0x4] =	stream.indirect_vreg.gather [hbm4b:s4+s2], $0x80, v3, vm0, $0xb8;
	[tilespmem:$0x18600] =	vst v63  }
0x112: {  	v3 =	vld [tilespmem:$0x4F0];
	_ =	sdelay $0x4  }
0x113: {  	v47 =	vshll.u32 v3, $0x1  }
0x114: {  	v3 =	vand.u32 $0x7, v3;
	v4 =	vand.u32 $0xFFFFFFF0, v47  }
0x115: {  	v3 =	vor.u32 v3, v4  }
0x116: {  	v4 =	vperm.xlane v3, v0;
	_ =	sdelay $0x1  }
0x117: {  	v3 =	vperm.xlane v3, v2;
	v4 =	vadd.s32 v1, v4;
	_ =	sdelay $0x1  }
0x118: {  	v3 =	vadd.s32 v1, v3;
	_ =	sdelay $0x1  }
0x119: {  	s14 =	rddreg [dreg:$0x1b]  }
0x11a: {  	[tilespmem:s14], [sflag:$0x4] =	stream.indirect_vreg.gather [hbm4b:s4+s2], $0x80, v4, vm0, $0xb8;
	[tilespmem:$0x18600] =	vst v63  }
0x11b: {  	s16 =	rddreg [dreg:$0x1c]  }
0x11c: {  	[tilespmem:s16], [sflag:$0x4] =	stream.indirect_vreg.gather [hbm4b:s4+s2], $0x80, v3, vm0, $0xb8;
	[tilespmem:$0x18600] =	vst v63  }
0x11d: {  	v3 =	vld [tilespmem:$0x500];
	_ =	sdelay $0x4  }
0x11e: {  	v48 =	vshll.u32 v3, $0x1  }
0x11f: {  	v3 =	vand.u32 $0x7, v3;
	v4 =	vand.u32 $0xFFFFFFF0, v48  }
0x120: {  	v3 =	vor.u32 v3, v4  }
0x121: {  	v4 =	vperm.xlane v3, v0;
	_ =	sdelay $0x1  }
0x122: {  	v3 =	vperm.xlane v3, v2;
	v4 =	vadd.s32 v1, v4;
	_ =	sdelay $0x1  }
0x123: {  	v3 =	vadd.s32 v1, v3;
	_ =	sdelay $0x2  }
0x124: {  	[tilespmem:s11], [sflag:$0x5] =	stream.indirect_vreg.gather [hbm4b:s4+s2], $0x80, v4, vm0, $0xb8;
	[tilespmem:$0x18600] =	vst v63  }
0x125: {  	s16 =	rddreg [dreg:$0x1d]  }
0x126: {  	[tilespmem:s16], [sflag:$0x5] =	stream.indirect_vreg.gather [hbm4b:s4+s2], $0x80, v3, vm0, $0xb8;
	[tilespmem:$0x18600] =	vst v63  }
0x127: {  	v3 =	vld [tilespmem:$0x510];
	_ =	sdelay $0x4  }
0x128: {  	v49 =	vshll.u32 v3, $0x1  }
0x129: {  	v3 =	vand.u32 $0x7, v3;
	v4 =	vand.u32 $0xFFFFFFF0, v49  }
0x12a: {  	v3 =	vor.u32 v3, v4  }
0x12b: {  	v4 =	vperm.xlane v3, v0;
	_ =	sdelay $0x1  }
0x12c: {  	v3 =	vperm.xlane v3, v2;
	v4 =	vadd.s32 v1, v4;
	_ =	sdelay $0x1  }
0x12d: {  	v3 =	vadd.s32 v1, v3;
	_ =	sdelay $0x1  }
0x12e: {  	s14 =	rddreg [dreg:$0x1e]  }
0x12f: {  	[tilespmem:s14], [sflag:$0x5] =	stream.indirect_vreg.gather [hbm4b:s4+s2], $0x80, v4, vm0, $0xb8;
	[tilespmem:$0x18600] =	vst v63  }
0x130: {  	s16 =	rddreg [dreg:$0x1f]  }
0x131: {  	[tilespmem:s16], [sflag:$0x5] =	stream.indirect_vreg.gather [hbm4b:s4+s2], $0x80, v3, vm0, $0xb8;
	[tilespmem:$0x18600] =	vst v63  }
0x132: {  	v3 =	vld [tilespmem:$0x520];
	_ =	sdelay $0x4  }
0x133: {  	v50 =	vshll.u32 v3, $0x1  }
0x134: {  	v3 =	vand.u32 $0x7, v3;
	v4 =	vand.u32 $0xFFFFFFF0, v50  }
0x135: {  	v3 =	vor.u32 v3, v4  }
0x136: {  	v4 =	vperm.xlane v3, v0;
	_ =	sdelay $0x1  }
0x137: {  	v3 =	vperm.xlane v3, v2;
	v4 =	vadd.s32 v1, v4;
	_ =	sdelay $0x1  }
0x138: {  	s14 =	sld [smem:$0x7F3];
	v3 =	vadd.s32 v1, v3;
	_ =	sdelay $0x1  }
0x139: {  	s16 =	sld [smem:$0x7F4]  }
0x13a: {  	[tilespmem:s14], [sflag:$0x5] =	stream.indirect_vreg.gather [hbm4b:s4+s2], $0x80, v4, vm0, $0xb8;
	[tilespmem:$0x18600] =	vst v63  }
0x13b: {  	_ = 	snop  }
0x13c: {  	[tilespmem:s16], [sflag:$0x5] =	stream.indirect_vreg.gather [hbm4b:s4+s2], $0x80, v3, vm0, $0xb8;
	[tilespmem:$0x18600] =	vst v63  }
0x13d: {  	v3 =	vld [tilespmem:$0x530];
	_ =	sdelay $0x4  }
0x13e: {  	v51 =	vshll.u32 v3, $0x1  }
0x13f: {  	v3 =	vand.u32 $0x7, v3;
	v4 =	vand.u32 $0xFFFFFFF0, v51  }
0x140: {  	v3 =	vor.u32 v3, v4  }
0x141: {  	v4 =	vperm.xlane v3, v0;
	_ =	sdelay $0x1  }
0x142: {  	v3 =	vperm.xlane v3, v2;
	v4 =	vadd.s32 v1, v4;
	_ =	sdelay $0x1  }
0x143: {  	s14 =	sld [smem:$0x7F5];
	v3 =	vadd.s32 v1, v3;
	_ =	sdelay $0x1  }
0x144: {  	s16 =	sld [smem:$0x7F6]  }
0x145: {  	[tilespmem:s14], [sflag:$0x5] =	stream.indirect_vreg.gather [hbm4b:s4+s2], $0x80, v4, vm0, $0xb8;
	[tilespmem:$0x18600] =	vst v63  }
0x146: {  	_ = 	snop  }
0x147: {  	[tilespmem:s16], [sflag:$0x5] =	stream.indirect_vreg.gather [hbm4b:s4+s2], $0x80, v3, vm0, $0xb8;
	[tilespmem:$0x18600] =	vst v63  }
0x148: {  	v3 =	vld [tilespmem:$0x540];
	_ =	sdelay $0x4  }
0x149: {  	v52 =	vshll.u32 v3, $0x1  }
0x14a: {  	v3 =	vand.u32 $0x7, v3;
	v4 =	vand.u32 $0xFFFFFFF0, v52  }
0x14b: {  	v3 =	vor.u32 v3, v4  }
0x14c: {  	v4 =	vperm.xlane v3, v0;
	_ =	sdelay $0x1  }
0x14d: {  	v3 =	vperm.xlane v3, v2;
	v4 =	vadd.s32 v1, v4;
	_ =	sdelay $0x1  }
0x14e: {  	v3 =	vadd.s32 v1, v3;
	_ =	sdelay $0x1  }
0x14f: {  	s16 =	sld [smem:$0x7F7]  }
0x150: {  	[tilespmem:s12], [sflag:$0x6] =	stream.indirect_vreg.gather [hbm4b:s4+s2], $0x80, v4, vm0, $0xb8;
	[tilespmem:$0x18600] =	vst v63  }
0x151: {  	_ = 	snop  }
0x152: {  	[tilespmem:s16], [sflag:$0x6] =	stream.indirect_vreg.gather [hbm4b:s4+s2], $0x80, v3, vm0, $0xb8;
	[tilespmem:$0x18600] =	vst v63  }
0x153: {  	v3 =	vld [tilespmem:$0x550];
	_ =	sdelay $0x4  }
0x154: {  	v53 =	vshll.u32 v3, $0x1  }
0x155: {  	v3 =	vand.u32 $0x7, v3;
	v4 =	vand.u32 $0xFFFFFFF0, v53  }
0x156: {  	v3 =	vor.u32 v3, v4  }
0x157: {  	v4 =	vperm.xlane v3, v0;
	_ =	sdelay $0x1  }
0x158: {  	v3 =	vperm.xlane v3, v2;
	v4 =	vadd.s32 v1, v4;
	_ =	sdelay $0x1  }
0x159: {  	s14 =	sld [smem:$0x7F8];
	v3 =	vadd.s32 v1, v3;
	_ =	sdelay $0x1  }
0x15a: {  	s16 =	sld [smem:$0x7F9]  }
0x15b: {  	[tilespmem:s14], [sflag:$0x6] =	stream.indirect_vreg.gather [hbm4b:s4+s2], $0x80, v4, vm0, $0xb8;
	[tilespmem:$0x18600] =	vst v63  }
0x15c: {  	_ = 	snop  }
0x15d: {  	[tilespmem:s16], [sflag:$0x6] =	stream.indirect_vreg.gather [hbm4b:s4+s2], $0x80, v3, vm0, $0xb8;
	[tilespmem:$0x18600] =	vst v63  }
0x15e: {  	v3 =	vld [tilespmem:$0x560];
	_ =	sdelay $0x4  }
0x15f: {  	v54 =	vshll.u32 v3, $0x1  }
0x160: {  	v3 =	vand.u32 $0x7, v3;
	v4 =	vand.u32 $0xFFFFFFF0, v54  }
0x161: {  	v3 =	vor.u32 v3, v4  }
0x162: {  	v4 =	vperm.xlane v3, v0;
	_ =	sdelay $0x1  }
0x163: {  	v3 =	vperm.xlane v3, v2;
	v4 =	vadd.s32 v1, v4;
	_ =	sdelay $0x1  }
0x164: {  	s14 =	sld [smem:$0x7FA];
	v3 =	vadd.s32 v1, v3;
	_ =	sdelay $0x1  }
0x165: {  	s16 =	sld [smem:$0x7FB]  }
0x166: {  	[tilespmem:s14], [sflag:$0x6] =	stream.indirect_vreg.gather [hbm4b:s4+s2], $0x80, v4, vm0, $0xb8;
	[tilespmem:$0x18600] =	vst v63  }
0x167: {  	_ = 	snop  }
0x168: {  	[tilespmem:s16], [sflag:$0x6] =	stream.indirect_vreg.gather [hbm4b:s4+s2], $0x80, v3, vm0, $0xb8;
	[tilespmem:$0x18600] =	vst v63  }
0x169: {  	v3 =	vld [tilespmem:$0x570];
	_ =	sdelay $0x4  }
0x16a: {  	v55 =	vshll.u32 v3, $0x1  }
0x16b: {  	v3 =	vand.u32 $0x7, v3;
	v4 =	vand.u32 $0xFFFFFFF0, v55  }
0x16c: {  	v3 =	vor.u32 v3, v4  }
0x16d: {  	v4 =	vperm.xlane v3, v0;
	_ =	sdelay $0x1  }
0x16e: {  	v3 =	vperm.xlane v3, v2;
	v4 =	vadd.s32 v1, v4;
	_ =	sdelay $0x1  }
0x16f: {  	s14 =	sld [smem:$0x7FC];
	v3 =	vadd.s32 v1, v3;
	_ =	sdelay $0x1  }
0x170: {  	s16 =	sld [smem:$0x7FD]  }
0x171: {  	[tilespmem:s14], [sflag:$0x6] =	stream.indirect_vreg.gather [hbm4b:s4+s2], $0x80, v4, vm0, $0xb8;
	[tilespmem:$0x18600] =	vst v63  }
0x172: {  	_ = 	snop  }
0x173: {  	[tilespmem:s16], [sflag:$0x6] =	stream.indirect_vreg.gather [hbm4b:s4+s2], $0x80, v3, vm0, $0xb8;
	[tilespmem:$0x18600] =	vst v63  }
0x174: {  	_ =	swait.ge [sflag:s28], $0x4000  }
0x175: {  	s16 =	sld [smem:$0x7F2]  }
0x176: {  	[sflag:s28] =	ssyncset.done $0x0  }
0x177: {  	[sflag:s28] =	ssyncadd.s32 $0xFFFFC000  }
0x178: {  	[hbm4b:s16+s2] =	stream.linear.scatter [tilespmem:s7], [sflag:$0x7], $0x4000, $0x38;
	[tilespmem:$0x18600] =	vst v63  }
0x179: {  	_ =	swait.ge [sflag:s29], $0x4000  }
0x17a: {  	[sflag:s29] =	ssyncset.done $0x0  }
0x17b: {  	s16 =	rddreg [dreg:$0x7];
	[sflag:s29] =	ssyncadd.s32 $0xFFFFC000  }
0x17c: {  	[hbm4b:s16+s2] =	stream.linear.scatter [tilespmem:s15], [sflag:$0x8], $0x4000, $0x38;
	[tilespmem:$0x18600] =	vst v63  }
0x17d: {  	s16 =	simm.s32 $0x3  }
0x17e: {  	_ =	swait.ge [sflag:s16], $0x4000  }
0x17f: {  	[sflag:s16] =	ssyncset.done $0x0  }
0x180: {  	s14 =	rddreg [dreg:$0x8];
	[sflag:s16] =	ssyncadd.s32 $0xFFFFC000  }
0x181: {  	[hbm4b:s14+s2] =	stream.linear.scatter [tilespmem:s0], [sflag:$0x9], $0x4000, $0x38;
	[tilespmem:$0x18600] =	vst v63  }
0x182: {  	s14 =	simm.s32 $0x4  }
0x183: {  	_ =	swait.ge [sflag:s14], $0x4000  }
0x184: {  	[sflag:s14] =	ssyncset.done $0x0  }
0x185: {  	s16 =	rddreg [dreg:$0x9];
	[sflag:s14] =	ssyncadd.s32 $0xFFFFC000;
	s14 =	simm.s32 $0x5  }
0x186: {  	[hbm4b:s16+s2] =	stream.linear.scatter [tilespmem:s10], [sflag:$0xA], $0x4000, $0x38;
	[tilespmem:$0x18600] =	vst v63  }
0x187: {  	_ =	swait.ge [sflag:s14], $0x4000  }
0x188: {  	[sflag:s14] =	ssyncset.done $0x0  }
0x189: {  	s16 =	rddreg [dreg:$0xa];
	[sflag:s14] =	ssyncadd.s32 $0xFFFFC000;
	s14 =	simm.s32 $0x6  }
0x18a: {  	[hbm4b:s16+s2] =	stream.linear.scatter [tilespmem:s11], [sflag:$0xB], $0x4000, $0x38;
	[tilespmem:$0x18600] =	vst v63  }
0x18b: {  	_ =	swait.ge [sflag:s14], $0x4000  }
0x18c: {  	[sflag:s14] =	ssyncset.done $0x0  }
0x18d: {  	s16 =	rddreg [dreg:$0xb];
	[sflag:s14] =	ssyncadd.s32 $0xFFFFC000  }
0x18e: {  	[hbm4b:s16+s2] =	stream.linear.scatter [tilespmem:s12], [sflag:$0xC], $0x4000, $0x38;
	[tilespmem:$0x18600] =	vst v63  }
0x18f: {  	_ =	swait.ge [sflag:s8], $0x4000  }
0x190: {  	[sflag:s8] =	ssyncset.done $0x0  }
0x191: {  	[sflag:s8] =	ssyncadd.s32 $0xFFFFC000  }
0x192: {  	v3 =	vld [tilespmem:$0x580];
	_ =	sdelay $0x4  }
0x193: {  	v56 =	vshll.u32 v3, $0x1  }
0x194: {  	v3 =	vand.u32 $0x7, v3;
	v4 =	vand.u32 $0xFFFFFFF0, v56  }
0x195: {  	v3 =	vor.u32 v3, v4  }
0x196: {  	v4 =	vperm.xlane v3, v0;
	_ =	sdelay $0x1  }
0x197: {  	v3 =	vperm.xlane v3, v2;
	v4 =	vadd.s32 v1, v4;
	_ =	sdelay $0x1  }
0x198: {  	v3 =	vadd.s32 v1, v3;
	_ =	sdelay $0x2  }
0x199: {  	[tilespmem:s7], [sflag:$0x1] =	stream.indirect_vreg.gather [hbm4b:s4+s2], $0x80, v4, vm0, $0xb8;
	[tilespmem:$0x18600] =	vst v63  }
0x19a: {  	_ = 	snop  }
0x19b: {  	[tilespmem:s17], [sflag:$0x1] =	stream.indirect_vreg.gather [hbm4b:s4+s2], $0x80, v3, vm0, $0xb8;
	[tilespmem:$0x18600] =	vst v63  }
0x19c: {  	v3 =	vld [tilespmem:$0x590];
	_ =	sdelay $0x4  }
0x19d: {  	v57 =	vshll.u32 v3, $0x1  }
0x19e: {  	v3 =	vand.u32 $0x7, v3;
	v4 =	vand.u32 $0xFFFFFFF0, v57  }
0x19f: {  	v3 =	vor.u32 v3, v4  }
0x1a0: {  	v4 =	vperm.xlane v3, v0;
	_ =	sdelay $0x1  }
0x1a1: {  	v3 =	vperm.xlane v3, v2;
	v4 =	vadd.s32 v1, v4;
	_ =	sdelay $0x1  }
0x1a2: {  	v3 =	vadd.s32 v1, v3;
	_ =	sdelay $0x2  }
0x1a3: {  	[tilespmem:s18], [sflag:$0x1] =	stream.indirect_vreg.gather [hbm4b:s4+s2], $0x80, v4, vm0, $0xb8;
	[tilespmem:$0x18600] =	vst v63  }
0x1a4: {  	_ = 	snop  }
0x1a5: {  	[tilespmem:s19], [sflag:$0x1] =	stream.indirect_vreg.gather [hbm4b:s4+s2], $0x80, v3, vm0, $0xb8;
	[tilespmem:$0x18600] =	vst v63  }
0x1a6: {  	v3 =	vld [tilespmem:$0x5A0];
	_ =	sdelay $0x4  }
0x1a7: {  	v58 =	vshll.u32 v3, $0x1  }
0x1a8: {  	v3 =	vand.u32 $0x7, v3;
	v4 =	vand.u32 $0xFFFFFFF0, v58  }
0x1a9: {  	v3 =	vor.u32 v3, v4  }
0x1aa: {  	v4 =	vperm.xlane v3, v0;
	_ =	sdelay $0x1  }
0x1ab: {  	v3 =	vperm.xlane v3, v2;
	v4 =	vadd.s32 v1, v4;
	_ =	sdelay $0x1  }
0x1ac: {  	v3 =	vadd.s32 v1, v3;
	_ =	sdelay $0x2  }
0x1ad: {  	[tilespmem:s20], [sflag:$0x1] =	stream.indirect_vreg.gather [hbm4b:s4+s2], $0x80, v4, vm0, $0xb8;
	[tilespmem:$0x18600] =	vst v63  }
0x1ae: {  	_ = 	snop  }
0x1af: {  	[tilespmem:s21], [sflag:$0x1] =	stream.indirect_vreg.gather [hbm4b:s4+s2], $0x80, v3, vm0, $0xb8;
	[tilespmem:$0x18600] =	vst v63  }
0x1b0: {  	v3 =	vld [tilespmem:$0x5B0];
	_ =	sdelay $0x4  }
0x1b1: {  	v59 =	vshll.u32 v3, $0x1  }
0x1b2: {  	v3 =	vand.u32 $0x7, v3;
	v4 =	vand.u32 $0xFFFFFFF0, v59  }
0x1b3: {  	v3 =	vor.u32 v3, v4  }
0x1b4: {  	v4 =	vperm.xlane v3, v0;
	_ =	sdelay $0x1  }
0x1b5: {  	v3 =	vperm.xlane v3, v2;
	v4 =	vadd.s32 v1, v4;
	_ =	sdelay $0x1  }
0x1b6: {  	v3 =	vadd.s32 v1, v3;
	_ =	sdelay $0x2  }
0x1b7: {  	[tilespmem:s22], [sflag:$0x1] =	stream.indirect_vreg.gather [hbm4b:s4+s2], $0x80, v4, vm0, $0xb8;
	[tilespmem:$0x18600] =	vst v63  }
0x1b8: {  	_ = 	snop  }
0x1b9: {  	[tilespmem:s23], [sflag:$0x1] =	stream.indirect_vreg.gather [hbm4b:s4+s2], $0x80, v3, vm0, $0xb8;
	[tilespmem:$0x18600] =	vst v63  }
0x1ba: {  	_ =	swait.ge [sflag:s28], $0x4000  }
0x1bb: {  	[sflag:s28] =	ssyncset.done $0x0  }
0x1bc: {  	s16 =	rddreg [dreg:$0xc];
	[sflag:s28] =	ssyncadd.s32 $0xFFFFC000  }
0x1bd: {  	[hbm4b:s16+s2] =	stream.linear.scatter [tilespmem:s7], [sflag:$0x7], $0x4000, $0x38;
	[tilespmem:$0x18600] =	vst v63  }
0x1be: {  	_ =	swait.ge [sflag:s9], $0x4000  }
0x1bf: {  	[sflag:s9] =	ssyncset.done $0x0  }
0x1c0: {  	[sflag:s9] =	ssyncadd.s32 $0xFFFFC000  }
0x1c1: {  	v3 =	vld [tilespmem:$0x5C0];
	_ =	sdelay $0x4  }
0x1c2: {  	v60 =	vshll.u32 v3, $0x1  }
0x1c3: {  	v3 =	vand.u32 $0x7, v3;
	v4 =	vand.u32 $0xFFFFFFF0, v60  }
0x1c4: {  	v3 =	vor.u32 v3, v4  }
0x1c5: {  	v4 =	vperm.xlane v3, v0;
	_ =	sdelay $0x1  }
0x1c6: {  	v3 =	vperm.xlane v3, v2;
	v4 =	vadd.s32 v1, v4;
	_ =	sdelay $0x1  }
0x1c7: {  	v3 =	vadd.s32 v1, v3;
	_ =	sdelay $0x2  }
0x1c8: {  	[tilespmem:s15], [sflag:$0x2] =	stream.indirect_vreg.gather [hbm4b:s4+s2], $0x80, v4, vm0, $0xb8;
	[tilespmem:$0x18600] =	vst v63  }
0x1c9: {  	_ = 	snop  }
0x1ca: {  	[tilespmem:s24], [sflag:$0x2] =	stream.indirect_vreg.gather [hbm4b:s4+s2], $0x80, v3, vm0, $0xb8;
	[tilespmem:$0x18600] =	vst v63  }
0x1cb: {  	v3 =	vld [tilespmem:$0x5D0];
	_ =	sdelay $0x4  }
0x1cc: {  	v61 =	vshll.u32 v3, $0x1  }
0x1cd: {  	v3 =	vand.u32 $0x7, v3;
	v4 =	vand.u32 $0xFFFFFFF0, v61  }
0x1ce: {  	v3 =	vor.u32 v3, v4  }
0x1cf: {  	v4 =	vperm.xlane v3, v0;
	_ =	sdelay $0x1  }
0x1d0: {  	v3 =	vperm.xlane v3, v2;
	v4 =	vadd.s32 v1, v4;
	_ =	sdelay $0x1  }
0x1d1: {  	v3 =	vadd.s32 v1, v3;
	_ =	sdelay $0x2  }
0x1d2: {  	[tilespmem:s25], [sflag:$0x2] =	stream.indirect_vreg.gather [hbm4b:s4+s2], $0x80, v4, vm0, $0xb8;
	[tilespmem:$0x18600] =	vst v63  }
0x1d3: {  	_ = 	snop  }
0x1d4: {  	[tilespmem:s26], [sflag:$0x2] =	stream.indirect_vreg.gather [hbm4b:s4+s2], $0x80, v3, vm0, $0xb8;
	[tilespmem:$0x18600] =	vst v63  }
0x1d5: {  	v3 =	vld [tilespmem:$0x5E0];
	_ =	sdelay $0x4  }
0x1d6: {  	v62 =	vshll.u32 v3, $0x1  }
0x1d7: {  	v3 =	vand.u32 $0x7, v3;
	v4 =	vand.u32 $0xFFFFFFF0, v62  }
0x1d8: {  	v3 =	vor.u32 v3, v4  }
0x1d9: {  	v4 =	vperm.xlane v3, v0;
	_ =	sdelay $0x1  }
0x1da: {  	v3 =	vperm.xlane v3, v2;
	v4 =	vadd.s32 v1, v4;
	_ =	sdelay $0x1  }
0x1db: {  	v3 =	vadd.s32 v1, v3;
	_ =	sdelay $0x2  }
0x1dc: {  	[tilespmem:s3], [sflag:$0x2] =	stream.indirect_vreg.gather [hbm4b:s4+s2], $0x80, v4, vm0, $0xb8;
	[tilespmem:$0x18600] =	vst v63  }
0x1dd: {  	_ = 	snop  }
0x1de: {  	[tilespmem:s30], [sflag:$0x2] =	stream.indirect_vreg.gather [hbm4b:s4+s2], $0x80, v3, vm0, $0xb8;
	[tilespmem:$0x18600] =	vst v63  }
0x1df: {  	v3 =	vld [tilespmem:$0x5F0];
	_ =	sdelay $0x4  }
0x1e0: {  	v63 =	vshll.u32 v3, $0x1  }
0x1e1: {  	v3 =	vand.u32 $0x7, v3;
	v4 =	vand.u32 $0xFFFFFFF0, v63  }
0x1e2: {  	v3 =	vor.u32 v3, v4  }
0x1e3: {  	v4 =	vperm.xlane v3, v0;
	_ =	sdelay $0x1  }
0x1e4: {  	v3 =	vperm.xlane v3, v2;
	v4 =	vadd.s32 v1, v4;
	_ =	sdelay $0x1  }
0x1e5: {  	v3 =	vadd.s32 v1, v3;
	_ =	sdelay $0x2  }
0x1e6: {  	[tilespmem:s31], [sflag:$0x2] =	stream.indirect_vreg.gather [hbm4b:s4+s2], $0x80, v4, vm0, $0xb8;
	[tilespmem:$0x18600] =	vst v63  }
0x1e7: {  	_ = 	snop  }
0x1e8: {  	[tilespmem:s1], [sflag:$0x2] =	stream.indirect_vreg.gather [hbm4b:s4+s2], $0x80, v3, vm0, $0xb8;
	[tilespmem:$0x18600] =	vst v63  }
0x1e9: {  	_ =	swait.ge [sflag:s29], $0x4000  }
0x1ea: {  	[sflag:s29] =	ssyncset.done $0x0  }
0x1eb: {  	s16 =	simm.s32 $0x9;
	s0 =	rddreg [dreg:$0xd];
	[sflag:s29] =	ssyncadd.s32 $0xFFFFC000  }
0x1ec: {  	[hbm4b:s0+s2] =	stream.linear.scatter [tilespmem:s15], [sflag:$0x8], $0x4000, $0x38;
	[tilespmem:$0x18600] =	vst v63  }
0x1ed: {  	_ =	swait.ge [sflag:s16], $0x4000  }
0x1ee: {  	[sflag:s16] =	ssyncset.done $0x0  }
0x1ef: {  	s14 =	simm.s32 $0xA;
	[sflag:s16] =	ssyncadd.s32 $0xFFFFC000  }
0x1f0: {  	_ =	swait.ge [sflag:s14], $0x4000  }
0x1f1: {  	[sflag:s14] =	ssyncset.done $0x0  }
0x1f2: {  	s16 =	simm.s32 $0xB;
	[sflag:s14] =	ssyncadd.s32 $0xFFFFC000  }
0x1f3: {  	_ =	swait.ge [sflag:s16], $0x4000  }
0x1f4: {  	[sflag:s16] =	ssyncset.done $0x0  }
0x1f5: {  	[sflag:s16] =	ssyncadd.s32 $0xFFFFC000  }
0x1f6: {  	_ =	swait.ge [sflag:s13], $0x4000  }
0x1f7: {  	[sflag:s13] =	ssyncset.done $0x0  }
0x1f8: {  	[sflag:s13] =	ssyncadd.s32 $0xFFFFC000  }
0x1f9: {  	p0 =	sne.s32 s5, $0x1;
	_ =	swait.ge [sflag:s8], $0x4000  }
.Ltmp0:
0x1fa: {  	[sflag:s8] =	ssyncset.done $0x0;
	(pc) =	sbr.rel @p0 .LBB2_1-.Ltmp0, $4  }
0x1fb: {  	[sflag:s8] =	ssyncadd.s32 $0xFFFFC000  }
0x1fc: {  	_ =	swait.ge [sflag:s9], $0x4000  }
0x1fd: {  	[sflag:s9] =	ssyncset.done $0x0  }
0x1fe: {  	s5 =	sadd.s32 $0xFFFFFFFF, s5;
	[sflag:s9] =	ssyncadd.s32 $0xFFFFC000  }
0x1ff: {  	_ =	sfence.sel $0x180000  }
0x200: {  	[bflag:$0x0] =	sbarrier.arrive $0xFFFF  }
0x201: {  	_ =	strace $0x90000047  }
0x202: {  	s0 =	stileid.u32;
	[bflag:$0x2] =	sbarrier.arrive $0xFFFF  }
0x203: {  	p0 =	sne.s32 s0, $0x0;
	s0 =	rddreg [dreg:$0x4]  }
0x204: {  	s0 =	sadd.s32 @!p0 $0x100000, s0  }
0x205: {  	[sflag:s0] =	ssyncadd.tile.s32 @!p0 $0x1;
	_ =	shalt  }
.Lfunc_end2:
_tile_overlayer_lowered:
.L_overlay_start_2:
0x206: {  	(tag) =	ssettag $0x2  }
0x207: {  	s0 =	rddreg [dreg:$0x0];
	s2 =	stileid.u32  }
0x208: {  	s1 =	rddreg [dreg:$0x1];
	p0 =	sne.s32 s2, $0x0  }
0x209: {  	s3 =	rddreg [dreg:$0x2];
	[bflag:$0x3] =	sbarrier.arrive $0xFFFF;
	s2 =	simm.s32 @!p0 $0x1C0D  }
0x20a: {  	[timem:s3], [sflag:s2] =	dma.local @!p0 [hbm:s0], s1  }
0x20b: {  	s0 =	simm.s32 @!p0 $0xD  }
0x20c: {  	_ =	swait.ge @!p0 [sflag:s0], s1  }
0x20d: {  	s1 =	ssub.s32 @!p0 $0x0, s1;
	[sflag:s0] =	ssyncset.done @!p0 $0x0  }
0x20e: {  	[sflag:s0] =	ssyncadd.s32 @!p0 s1  }
0x20f: {  	[bflag:$0x3] =	sbarrier.arrive $0xFFFF  }
0x210: {  	_ =	shalt  }

</sc_bundles>
